<compile_context>
chip_gen: v7x
topology: tpu7x:2x2x1
jax: 0.10.2.dev20260603
libtpu: 0.0.44.dev20260713+nightly
codegen_flags: <defaults>
</compile_context>

<pallas_src>
import functools

import jax
import jax.numpy as jnp
from jax import lax
from jax.experimental import pallas as pl
from jax.experimental.pallas import tpu as pltpu
from jax.experimental.pallas import tpu_sc as plsc

MAXINS = 50
D = 36
DP = 40
BATCHES = 4
PIX = 192 * 640
ROWS = BATCHES * PIX
ROWS_PER_CORE = ROWS // 2
ROWS_PER_TILE = ROWS_PER_CORE // 16
CHUNK = 1024
NCHUNK = ROWS_PER_TILE // CHUNK
GRP = 128
SEG_STRIDE = 64
NSEG = BATCHES * SEG_STRIDE
TD = 128
CBLK = 4096
BLKS_PER_BATCH = PIX // CBLK


def _compress_body(ids_ref, src_ref, out_ref):
    g = pl.program_id(0)
    ids = ids_ref[0, 0, :]
    seg0 = SEG_STRIDE * (g // BLKS_PER_BATCH)
    onehot = (ids[:, None]
              == lax.broadcasted_iota(jnp.int32, (CBLK, SEG_STRIDE), 1) + seg0
              ).astype(jnp.float32)
    partial = lax.dot_general(
        onehot, src_ref[0],
        dimension_numbers=(((0,), (0,)), ((), ())),
        preferred_element_type=jnp.float32,
        precision=lax.Precision.HIGHEST)

    @pl.when(g % BLKS_PER_BATCH == 0)
    def _init():
        out_ref[...] = jnp.zeros_like(out_ref)

    out_ref[:, :D] += partial


def _inflate_body(ids_hbm, table_hbm, out_hbm, t40_hbm, ids8, rows_v, row_v,
                  sem):
    c = lax.axis_index("c")
    s = lax.axis_index("s")
    row_base = c * ROWS_PER_CORE + s * ROWS_PER_TILE

    def pack_row(r, carry):
        pltpu.sync_copy(table_hbm.at[r], row_v)
        pltpu.sync_copy(row_v.at[pl.ds(0, DP)], t40_hbm.at[r])
        return carry
    r0 = c * (2 * SEG_STRIDE) + s * 8
    lax.fori_loop(r0, r0 + 8, pack_row, 0)

    plsc.subcore_barrier()

    def inf_chunk(ch, carry):
        base = row_base + ch * CHUNK
        pltpu.sync_copy(ids_hbm.at[pl.ds(base // GRP, CHUNK // GRP)], ids8)
        descs = [
            pltpu.async_copy(t40_hbm.at[ids8.at[j]],
                             rows_v.at[pl.ds(j * GRP, GRP)], sem)
            for j in range(CHUNK // GRP)
        ]
        for d in descs:
            d.wait()
        pltpu.sync_copy(rows_v, out_hbm.at[pl.ds(base, CHUNK)])
        return carry
    lax.fori_loop(0, NCHUNK, inf_chunk, 0)


@jax.jit
def _run(ids_off, src2):
    ids3 = ids_off.reshape(ROWS // CBLK, 1, CBLK)
    src3 = src2.reshape(ROWS // CBLK, CBLK, D)
    table = pl.pallas_call(
        _compress_body,
        grid=(ROWS // CBLK,),
        in_specs=[
            pl.BlockSpec((1, 1, CBLK), lambda g: (g, 0, 0)),
            pl.BlockSpec((1, CBLK, D), lambda g: (g, 0, 0)),
        ],
        out_specs=pl.BlockSpec((SEG_STRIDE, TD),
                               lambda g: (g // BLKS_PER_BATCH, 0)),
        out_shape=jax.ShapeDtypeStruct((NSEG, TD), jnp.float32),
    )(ids3, src3)

    mesh = plsc.VectorSubcoreMesh(
        core_axis_name="c", subcore_axis_name="s",
        num_cores=2, num_subcores=16)
    inflate = functools.partial(
        pl.kernel,
        out_type=(jax.ShapeDtypeStruct((ROWS, DP), jnp.float32),
                  jax.ShapeDtypeStruct((NSEG, DP), jnp.float32)),
        mesh=mesh,
        scratch_types=[
            pltpu.VMEM((CHUNK // GRP, GRP), jnp.int32),
            pltpu.VMEM((CHUNK, DP), jnp.float32),
            pltpu.VMEM((TD,), jnp.float32),
            pltpu.SemaphoreType.DMA,
        ],
        compiler_params=pltpu.CompilerParams(use_tc_tiling_on_sc=False),
    )(_inflate_body)
    ids2 = ids_off.reshape(ROWS // GRP, GRP)
    out40, _ = inflate(ids2, table)
    return out40[:, :D]


def kernel(instance, compsrc):
    ids_off = (instance.reshape(BATCHES, PIX)
               + SEG_STRIDE * jnp.arange(BATCHES, dtype=jnp.int32)[:, None]
               ).reshape(ROWS)
    src2 = compsrc.reshape(ROWS, D)
    out = _run(ids_off, src2)
    return out.reshape(BATCHES, 192, 640, 6, 6)

# --- scband reference (transcript-rebuilt; emitter-appended) ---
"""Pipeline reference for scband-eppcore-81355270521006 (READ-ONLY COPY).

The authoritative reference and input builder live on the scoring server;
editing this copy changes nothing except your own understanding.
"""

import jax, jax.numpy as jnp
import numpy as np

MAXINSNUM = 50

def setup_inputs(seed: int = 0) -> dict:
    key = jax.random.key(seed)
    k1, k2 = jax.random.split(key)
    instance = jax.random.randint(k1, (4, 1, 192, 640), 0, MAXINSNUM).astype(jnp.int32)
    compsrc = jax.random.normal(k2, (4, 192, 640, 6, 6), dtype=jnp.float32)
    return {"instance": instance, "compsrc": compsrc}

def reference(instance, compsrc):
    # EPPCore core data movement: epp_compression (per-instance scatter-add of
    # per-pixel 6x6 blocks into a [bz, maxinsnum, 6, 6] instance memory),
    # followed by epp_inflation (gather the per-instance accumulators back to
    # every pixel owning that instance id).
    bz = instance.shape[0]
    h = instance.shape[2]
    w = instance.shape[3]
    comph = compsrc.shape[-2]
    compw = compsrc.shape[-1]
    ids = instance.reshape(bz, h * w)  # int32 instance id per pixel
    src = compsrc.reshape(bz, h * w, comph * compw)
    # compression: scatter-add per batch element (original accumulates in
    # double then casts to float; we accumulate in float32)
    compdst = jax.vmap(lambda i, s: jax.ops.segment_sum(s, i, num_segments=MAXINSNUM))(ids, src)
    compdst = compdst.astype(jnp.float32)
    # inflation: gather per-instance blocks back to pixels
    inf = jax.vmap(lambda c, i: jnp.take(c, i, axis=0))(compdst, ids)
    infdst = inf.reshape(bz, h, w, comph, compw)
    return infdst

if __name__ == "__main__":
    import jax
    _d = setup_inputs()
    print(jax.jit(kernel)(*tuple(_d.values())))

</pallas_src>

<mosaic_0001>
#map = affine_map<(d0, d1) -> (0, 0)>
module attributes {stable_mosaic.version = 14 : i64} {
  func.func @_inflate_body(%arg0: i32, %arg1: i32, %arg2: memref<3840x128xi32, #tpu.memory_space<hbm>>, %arg3: memref<256x128xf32, #tpu.memory_space<hbm>>, %arg4: memref<491520x40xf32, #tpu.memory_space<hbm>>, %arg5: memref<256x40xf32, #tpu.memory_space<hbm>>, %arg6: memref<8x128xi32, #tpu.memory_space<vmem>>, %arg7: memref<1024x40xf32, #tpu.memory_space<vmem>>, %arg8: memref<128xf32, #tpu.memory_space<vmem>>, %arg9: memref<!tpu.dma_semaphore, #tpu.memory_space<semaphore_mem>>) attributes {dimension_semantics = [#tpu.dimension_semantics<core_parallel>, #tpu.dimension_semantics<subcore_parallel>], iteration_bounds = array<i64: 2, 16>, scalar_prefetch = 0 : i64, scratch_operands = 4 : i64, tpu.core_type = #tpu.core_type<sc_vector_subcore>, window_params = [{transform_indices = #map}, {transform_indices = #map}, {transform_indices = #map}, {transform_indices = #map}]} {
    %mul3A = arith.constant 245760 : i32
    %mul3A_0 = arith.muli %arg0, %mul3A : i32
    %mul3A_1 = arith.constant 15360 : i32
    %mul3A_2 = arith.muli %arg1, %mul3A_1 : i32
    %add3A = arith.addi %mul3A_0, %mul3A_2 : i32
    %mul3A_3 = arith.constant 128 : i32
    %mul3A_4 = arith.muli %arg0, %mul3A_3 : i32
    %mul3A_5 = arith.constant 8 : i32
    %mul3A_6 = arith.muli %arg1, %mul3A_5 : i32
    %add3A_7 = arith.addi %mul3A_4, %mul3A_6 : i32
    %add3A_8 = arith.constant 8 : i32
    %add3A_9 = arith.addi %add3A_7, %add3A_8 : i32
    %while3A = arith.constant 0 : i32
    %while3A_10 = arith.subi %add3A_9, %add3A_7 : i32
    %while3A_11 = arith.addi %add3A_7, %while3A_10 : i32
    %while3A_12 = arith.constant 1 : i32
    %while3A_13 = arith.divsi %while3A_10, %while3A_12 : i32
    %while3A_14 = arith.muli %while3A_13, %while3A_12 : i32
    %while3A_15 = arith.addi %add3A_7, %while3A_14 : i32
    %while3A_16 = arith.constant 1 : i32
    scf.for %while3A_23 = %add3A_7 to %while3A_15 step %while3A_16  : i32 {
      "tpu.region"() ({
        %run_scoped3A = tpu.sem_alloc : memref<!tpu.dma_semaphore, #tpu.memory_space<semaphore_mem>>
        %dma_start3A = arith.constant 0 : i32
        %dma_start3A_24 = tpu.memref_slice %arg3[%while3A_23, %dma_start3A] : memref<256x128xf32, #tpu.memory_space<hbm>> -> memref<1x128xf32, #tpu.memory_space<hbm>>
        %dma_start3A_25 = tpu.memref_squeeze %dma_start3A_24 : memref<1x128xf32, #tpu.memory_space<hbm>> -> memref<128xf32, #tpu.memory_space<hbm>>
        %dma_start3A_26 = arith.constant 0 : i32
        %dma_start3A_27 = tpu.memref_slice %arg3[%while3A_23, %dma_start3A_26] : memref<256x128xf32, #tpu.memory_space<hbm>> -> memref<1x128xf32, #tpu.memory_space<hbm>>
        %dma_start3A_28 = tpu.memref_squeeze %dma_start3A_27 : memref<1x128xf32, #tpu.memory_space<hbm>> -> memref<128xf32, #tpu.memory_space<hbm>>
        tpu.enqueue_dma source(%dma_start3A_28 : memref<128xf32, #tpu.memory_space<hbm>>) target(%arg8 : memref<128xf32, #tpu.memory_space<vmem>>) target_semaphore(%run_scoped3A : memref<!tpu.dma_semaphore, #tpu.memory_space<semaphore_mem>>)
        %dma_wait3A = arith.constant 0 : i32
        %dma_wait3A_29 = tpu.memref_slice %arg3[%while3A_23, %dma_wait3A] : memref<256x128xf32, #tpu.memory_space<hbm>> -> memref<1x128xf32, #tpu.memory_space<hbm>>
        %dma_wait3A_30 = tpu.memref_squeeze %dma_wait3A_29 : memref<1x128xf32, #tpu.memory_space<hbm>> -> memref<128xf32, #tpu.memory_space<hbm>>
        %dma_wait3A_31 = arith.constant 0 : i32
        %dma_wait3A_32 = tpu.memref_slice %arg3[%while3A_23, %dma_wait3A_31] : memref<256x128xf32, #tpu.memory_space<hbm>> -> memref<1x128xf32, #tpu.memory_space<hbm>>
        %dma_wait3A_33 = tpu.memref_squeeze %dma_wait3A_32 : memref<1x128xf32, #tpu.memory_space<hbm>> -> memref<128xf32, #tpu.memory_space<hbm>>
        tpu.wait_dma2 semaphore(%run_scoped3A : memref<!tpu.dma_semaphore, #tpu.memory_space<semaphore_mem>>) src(%dma_wait3A_33 : memref<128xf32, #tpu.memory_space<hbm>>) dst(%arg8 : memref<128xf32, #tpu.memory_space<vmem>>)
        tpu.yield
      }) : () -> ()
      "tpu.region"() ({
        %run_scoped3A = tpu.sem_alloc : memref<!tpu.dma_semaphore, #tpu.memory_space<semaphore_mem>>
        %dma_start3A = arith.constant 0 : i32
        %dma_start3A_24 = tpu.memref_slice %arg8[%dma_start3A] : memref<128xf32, #tpu.memory_space<vmem>> -> memref<40xf32, #tpu.memory_space<vmem>>
        %dma_start3A_25 = arith.constant 0 : i32
        %dma_start3A_26 = tpu.memref_slice %arg5[%while3A_23, %dma_start3A_25] : memref<256x40xf32, #tpu.memory_space<hbm>> -> memref<1x40xf32, #tpu.memory_space<hbm>>
        %dma_start3A_27 = tpu.memref_squeeze %dma_start3A_26 : memref<1x40xf32, #tpu.memory_space<hbm>> -> memref<40xf32, #tpu.memory_space<hbm>>
        %dma_start3A_28 = arith.constant 0 : i32
        %dma_start3A_29 = tpu.memref_slice %arg5[%while3A_23, %dma_start3A_28] : memref<256x40xf32, #tpu.memory_space<hbm>> -> memref<1x40xf32, #tpu.memory_space<hbm>>
        %dma_start3A_30 = tpu.memref_squeeze %dma_start3A_29 : memref<1x40xf32, #tpu.memory_space<hbm>> -> memref<40xf32, #tpu.memory_space<hbm>>
        %dma_start3A_31 = arith.constant 0 : i32
        %dma_start3A_32 = tpu.memref_slice %arg8[%dma_start3A_31] : memref<128xf32, #tpu.memory_space<vmem>> -> memref<40xf32, #tpu.memory_space<vmem>>
        tpu.enqueue_dma source(%dma_start3A_32 : memref<40xf32, #tpu.memory_space<vmem>>) target(%dma_start3A_30 : memref<40xf32, #tpu.memory_space<hbm>>) target_semaphore(%run_scoped3A : memref<!tpu.dma_semaphore, #tpu.memory_space<semaphore_mem>>)
        %dma_wait3A = arith.constant 0 : i32
        %dma_wait3A_33 = tpu.memref_slice %arg8[%dma_wait3A] : memref<128xf32, #tpu.memory_space<vmem>> -> memref<40xf32, #tpu.memory_space<vmem>>
        %dma_wait3A_34 = arith.constant 0 : i32
        %dma_wait3A_35 = tpu.memref_slice %arg5[%while3A_23, %dma_wait3A_34] : memref<256x40xf32, #tpu.memory_space<hbm>> -> memref<1x40xf32, #tpu.memory_space<hbm>>
        %dma_wait3A_36 = tpu.memref_squeeze %dma_wait3A_35 : memref<1x40xf32, #tpu.memory_space<hbm>> -> memref<40xf32, #tpu.memory_space<hbm>>
        %dma_wait3A_37 = arith.constant 0 : i32
        %dma_wait3A_38 = tpu.memref_slice %arg5[%while3A_23, %dma_wait3A_37] : memref<256x40xf32, #tpu.memory_space<hbm>> -> memref<1x40xf32, #tpu.memory_space<hbm>>
        %dma_wait3A_39 = tpu.memref_squeeze %dma_wait3A_38 : memref<1x40xf32, #tpu.memory_space<hbm>> -> memref<40xf32, #tpu.memory_space<hbm>>
        %dma_wait3A_40 = arith.constant 0 : i32
        %dma_wait3A_41 = tpu.memref_slice %arg8[%dma_wait3A_40] : memref<128xf32, #tpu.memory_space<vmem>> -> memref<40xf32, #tpu.memory_space<vmem>>
        tpu.wait_dma2 semaphore(%run_scoped3A : memref<!tpu.dma_semaphore, #tpu.memory_space<semaphore_mem>>) src(%dma_wait3A_41 : memref<40xf32, #tpu.memory_space<vmem>>) dst(%dma_wait3A_39 : memref<40xf32, #tpu.memory_space<hbm>>)
        tpu.yield
      }) : () -> ()
    }
    %while3A_17 = arith.constant 1 : i32
    scf.for %while3A_23 = %while3A_15 to %while3A_11 step %while3A_17  : i32 {
      "tpu.region"() ({
        %run_scoped3A = tpu.sem_alloc : memref<!tpu.dma_semaphore, #tpu.memory_space<semaphore_mem>>
        %dma_start3A = arith.constant 0 : i32
        %dma_start3A_24 = tpu.memref_slice %arg3[%while3A_23, %dma_start3A] : memref<256x128xf32, #tpu.memory_space<hbm>> -> memref<1x128xf32, #tpu.memory_space<hbm>>
        %dma_start3A_25 = tpu.memref_squeeze %dma_start3A_24 : memref<1x128xf32, #tpu.memory_space<hbm>> -> memref<128xf32, #tpu.memory_space<hbm>>
        %dma_start3A_26 = arith.constant 0 : i32
        %dma_start3A_27 = tpu.memref_slice %arg3[%while3A_23, %dma_start3A_26] : memref<256x128xf32, #tpu.memory_space<hbm>> -> memref<1x128xf32, #tpu.memory_space<hbm>>
        %dma_start3A_28 = tpu.memref_squeeze %dma_start3A_27 : memref<1x128xf32, #tpu.memory_space<hbm>> -> memref<128xf32, #tpu.memory_space<hbm>>
        tpu.enqueue_dma source(%dma_start3A_28 : memref<128xf32, #tpu.memory_space<hbm>>) target(%arg8 : memref<128xf32, #tpu.memory_space<vmem>>) target_semaphore(%run_scoped3A : memref<!tpu.dma_semaphore, #tpu.memory_space<semaphore_mem>>)
        %dma_wait3A = arith.constant 0 : i32
        %dma_wait3A_29 = tpu.memref_slice %arg3[%while3A_23, %dma_wait3A] : memref<256x128xf32, #tpu.memory_space<hbm>> -> memref<1x128xf32, #tpu.memory_space<hbm>>
        %dma_wait3A_30 = tpu.memref_squeeze %dma_wait3A_29 : memref<1x128xf32, #tpu.memory_space<hbm>> -> memref<128xf32, #tpu.memory_space<hbm>>
        %dma_wait3A_31 = arith.constant 0 : i32
        %dma_wait3A_32 = tpu.memref_slice %arg3[%while3A_23, %dma_wait3A_31] : memref<256x128xf32, #tpu.memory_space<hbm>> -> memref<1x128xf32, #tpu.memory_space<hbm>>
        %dma_wait3A_33 = tpu.memref_squeeze %dma_wait3A_32 : memref<1x128xf32, #tpu.memory_space<hbm>> -> memref<128xf32, #tpu.memory_space<hbm>>
        tpu.wait_dma2 semaphore(%run_scoped3A : memref<!tpu.dma_semaphore, #tpu.memory_space<semaphore_mem>>) src(%dma_wait3A_33 : memref<128xf32, #tpu.memory_space<hbm>>) dst(%arg8 : memref<128xf32, #tpu.memory_space<vmem>>)
        tpu.yield
      }) : () -> ()
      "tpu.region"() ({
        %run_scoped3A = tpu.sem_alloc : memref<!tpu.dma_semaphore, #tpu.memory_space<semaphore_mem>>
        %dma_start3A = arith.constant 0 : i32
        %dma_start3A_24 = tpu.memref_slice %arg8[%dma_start3A] : memref<128xf32, #tpu.memory_space<vmem>> -> memref<40xf32, #tpu.memory_space<vmem>>
        %dma_start3A_25 = arith.constant 0 : i32
        %dma_start3A_26 = tpu.memref_slice %arg5[%while3A_23, %dma_start3A_25] : memref<256x40xf32, #tpu.memory_space<hbm>> -> memref<1x40xf32, #tpu.memory_space<hbm>>
        %dma_start3A_27 = tpu.memref_squeeze %dma_start3A_26 : memref<1x40xf32, #tpu.memory_space<hbm>> -> memref<40xf32, #tpu.memory_space<hbm>>
        %dma_start3A_28 = arith.constant 0 : i32
        %dma_start3A_29 = tpu.memref_slice %arg5[%while3A_23, %dma_start3A_28] : memref<256x40xf32, #tpu.memory_space<hbm>> -> memref<1x40xf32, #tpu.memory_space<hbm>>
        %dma_start3A_30 = tpu.memref_squeeze %dma_start3A_29 : memref<1x40xf32, #tpu.memory_space<hbm>> -> memref<40xf32, #tpu.memory_space<hbm>>
        %dma_start3A_31 = arith.constant 0 : i32
        %dma_start3A_32 = tpu.memref_slice %arg8[%dma_start3A_31] : memref<128xf32, #tpu.memory_space<vmem>> -> memref<40xf32, #tpu.memory_space<vmem>>
        tpu.enqueue_dma source(%dma_start3A_32 : memref<40xf32, #tpu.memory_space<vmem>>) target(%dma_start3A_30 : memref<40xf32, #tpu.memory_space<hbm>>) target_semaphore(%run_scoped3A : memref<!tpu.dma_semaphore, #tpu.memory_space<semaphore_mem>>)
        %dma_wait3A = arith.constant 0 : i32
        %dma_wait3A_33 = tpu.memref_slice %arg8[%dma_wait3A] : memref<128xf32, #tpu.memory_space<vmem>> -> memref<40xf32, #tpu.memory_space<vmem>>
        %dma_wait3A_34 = arith.constant 0 : i32
        %dma_wait3A_35 = tpu.memref_slice %arg5[%while3A_23, %dma_wait3A_34] : memref<256x40xf32, #tpu.memory_space<hbm>> -> memref<1x40xf32, #tpu.memory_space<hbm>>
        %dma_wait3A_36 = tpu.memref_squeeze %dma_wait3A_35 : memref<1x40xf32, #tpu.memory_space<hbm>> -> memref<40xf32, #tpu.memory_space<hbm>>
        %dma_wait3A_37 = arith.constant 0 : i32
        %dma_wait3A_38 = tpu.memref_slice %arg5[%while3A_23, %dma_wait3A_37] : memref<256x40xf32, #tpu.memory_space<hbm>> -> memref<1x40xf32, #tpu.memory_space<hbm>>
        %dma_wait3A_39 = tpu.memref_squeeze %dma_wait3A_38 : memref<1x40xf32, #tpu.memory_space<hbm>> -> memref<40xf32, #tpu.memory_space<hbm>>
        %dma_wait3A_40 = arith.constant 0 : i32
        %dma_wait3A_41 = tpu.memref_slice %arg8[%dma_wait3A_40] : memref<128xf32, #tpu.memory_space<vmem>> -> memref<40xf32, #tpu.memory_space<vmem>>
        tpu.wait_dma2 semaphore(%run_scoped3A : memref<!tpu.dma_semaphore, #tpu.memory_space<semaphore_mem>>) src(%dma_wait3A_41 : memref<40xf32, #tpu.memory_space<vmem>>) dst(%dma_wait3A_39 : memref<40xf32, #tpu.memory_space<hbm>>)
        tpu.yield
      }) : () -> ()
    }
    %barrier3A = arith.constant 0 : index
    tpu.barrier barrier_id(%barrier3A)
    %scan3A = arith.constant 0 : i32
    %scan3A_18 = arith.constant 0 : i32
    %scan3A_19 = arith.constant 15 : i32
    %scan3A_20 = arith.addi %scan3A_18, %scan3A_19 : i32
    %scan3A_21 = arith.constant 1 : i32
    scf.for %scan3A_23 = %scan3A_18 to %scan3A_20 step %scan3A_21  : i32 {
      %mul3A_24 = arith.constant 1024 : i32
      %mul3A_25 = arith.muli %scan3A_23, %mul3A_24 : i32
      %add3A_26 = arith.addi %add3A, %mul3A_25 : i32
      %jit3A = arith.constant 128 : i32
      %div3A = arith.divsi %add3A_26, %jit3A : i32
      %sign3A = arith.constant 0 : i32
      %sign3A_27 = arith.cmpi sgt, %add3A_26, %sign3A : i32
      %sign3A_28 = arith.extui %sign3A_27 : i1 to i32
      %sign3A_29 = arith.constant 0 : i32
      %sign3A_30 = arith.cmpi slt, %add3A_26, %sign3A_29 : i32
      %sign3A_31 = arith.extui %sign3A_30 : i1 to i32
      %sign3A_32 = arith.subi %sign3A_28, %sign3A_31 : i32
      %sign3A_33 = arith.constant 0 : i32
      %sign3A_34 = arith.cmpi sgt, %jit3A, %sign3A_33 : i32
      %sign3A_35 = arith.extui %sign3A_34 : i1 to i32
      %sign3A_36 = arith.constant 0 : i32
      %sign3A_37 = arith.cmpi slt, %jit3A, %sign3A_36 : i32
      %sign3A_38 = arith.extui %sign3A_37 : i1 to i32
      %sign3A_39 = arith.subi %sign3A_35, %sign3A_38 : i32
      %ne3A = arith.cmpi ne, %sign3A_32, %sign3A_39 : i32
      %rem3A = arith.remsi %add3A_26, %jit3A : i32
      %ne3A_40 = arith.constant 0 : i32
      %ne3A_41 = arith.cmpi ne, %rem3A, %ne3A_40 : i32
      %and3A = arith.andi %ne3A, %ne3A_41 : i1
      %sub3A = arith.constant 1 : i32
      %sub3A_42 = arith.subi %div3A, %sub3A : i32
      %select_n3A = arith.select %and3A, %sub3A_42, %div3A : i32
      "tpu.region"() ({
        %run_scoped3A = tpu.sem_alloc : memref<!tpu.dma_semaphore, #tpu.memory_space<semaphore_mem>>
        %dma_start3A_201 = arith.constant 0 : i32
        %dma_start3A_202 = tpu.memref_slice %arg2[%select_n3A, %dma_start3A_201] : memref<3840x128xi32, #tpu.memory_space<hbm>> -> memref<8x128xi32, #tpu.memory_space<hbm>>
        %dma_start3A_203 = arith.constant 0 : i32
        %dma_start3A_204 = tpu.memref_slice %arg2[%select_n3A, %dma_start3A_203] : memref<3840x128xi32, #tpu.memory_space<hbm>> -> memref<8x128xi32, #tpu.memory_space<hbm>>
        tpu.enqueue_dma source(%dma_start3A_204 : memref<8x128xi32, #tpu.memory_space<hbm>>) target(%arg6 : memref<8x128xi32, #tpu.memory_space<vmem>>) target_semaphore(%run_scoped3A : memref<!tpu.dma_semaphore, #tpu.memory_space<semaphore_mem>>)
        %dma_wait3A_205 = arith.constant 0 : i32
        %dma_wait3A_206 = tpu.memref_slice %arg2[%select_n3A, %dma_wait3A_205] : memref<3840x128xi32, #tpu.memory_space<hbm>> -> memref<8x128xi32, #tpu.memory_space<hbm>>
        %dma_wait3A_207 = arith.constant 0 : i32
        %dma_wait3A_208 = tpu.memref_slice %arg2[%select_n3A, %dma_wait3A_207] : memref<3840x128xi32, #tpu.memory_space<hbm>> -> memref<8x128xi32, #tpu.memory_space<hbm>>
        tpu.wait_dma2 semaphore(%run_scoped3A : memref<!tpu.dma_semaphore, #tpu.memory_space<semaphore_mem>>) src(%dma_wait3A_208 : memref<8x128xi32, #tpu.memory_space<hbm>>) dst(%arg6 : memref<8x128xi32, #tpu.memory_space<vmem>>)
        tpu.yield
      }) : () -> ()
      %dma_start3A = arith.constant 0 : i32
      %dma_start3A_43 = arith.constant 0 : i32
      %dma_start3A_44 = arith.constant 0 : i32
      %dma_start3A_45 = tpu.memref_slice %arg7[%dma_start3A_43, %dma_start3A_44] : memref<1024x40xf32, #tpu.memory_space<vmem>> -> memref<128x40xf32, #tpu.memory_space<vmem>>
      %dma_start3A_46 = arith.constant 0 : i32
      %dma_start3A_47 = tpu.memref_slice %arg6[%dma_start3A, %dma_start3A_46] : memref<8x128xi32, #tpu.memory_space<vmem>> -> memref<1x128xi32, #tpu.memory_space<vmem>>
      %dma_start3A_48 = tpu.memref_squeeze %dma_start3A_47 : memref<1x128xi32, #tpu.memory_space<vmem>> -> memref<128xi32, #tpu.memory_space<vmem>>
      %dma_start3A_49 = arith.constant 0 : i32
      %dma_start3A_50 = arith.constant 0 : i32
      %dma_start3A_51 = tpu.memref_slice %arg5[%dma_start3A_49, %dma_start3A_50] : memref<256x40xf32, #tpu.memory_space<hbm>> -> memref<256x40xf32, #tpu.memory_space<hbm>>
      tpu.enqueue_indirect_dma source(%dma_start3A_51 : memref<256x40xf32, #tpu.memory_space<hbm>>) target(%dma_start3A_45 : memref<128x40xf32, #tpu.memory_space<vmem>>) offsets(%dma_start3A_48 : memref<128xi32, #tpu.memory_space<vmem>>) semaphore(%arg9 : memref<!tpu.dma_semaphore, #tpu.memory_space<semaphore_mem>>)
      %dma_start3A_52 = arith.constant 1 : i32
      %dma_start3A_53 = arith.constant 128 : i32
      %dma_start3A_54 = arith.constant 0 : i32
      %dma_start3A_55 = tpu.memref_slice %arg7[%dma_start3A_53, %dma_start3A_54] : memref<1024x40xf32, #tpu.memory_space<vmem>> -> memref<128x40xf32, #tpu.memory_space<vmem>>
      %dma_start3A_56 = arith.constant 0 : i32
      %dma_start3A_57 = tpu.memref_slice %arg6[%dma_start3A_52, %dma_start3A_56] : memref<8x128xi32, #tpu.memory_space<vmem>> -> memref<1x128xi32, #tpu.memory_space<vmem>>
      %dma_start3A_58 = tpu.memref_squeeze %dma_start3A_57 : memref<1x128xi32, #tpu.memory_space<vmem>> -> memref<128xi32, #tpu.memory_space<vmem>>
      %dma_start3A_59 = arith.constant 0 : i32
      %dma_start3A_60 = arith.constant 0 : i32
      %dma_start3A_61 = tpu.memref_slice %arg5[%dma_start3A_59, %dma_start3A_60] : memref<256x40xf32, #tpu.memory_space<hbm>> -> memref<256x40xf32, #tpu.memory_space<hbm>>
      tpu.enqueue_indirect_dma source(%dma_start3A_61 : memref<256x40xf32, #tpu.memory_space<hbm>>) target(%dma_start3A_55 : memref<128x40xf32, #tpu.memory_space<vmem>>) offsets(%dma_start3A_58 : memref<128xi32, #tpu.memory_space<vmem>>) semaphore(%arg9 : memref<!tpu.dma_semaphore, #tpu.memory_space<semaphore_mem>>)
      %dma_start3A_62 = arith.constant 2 : i32
      %dma_start3A_63 = arith.constant 256 : i32
      %dma_start3A_64 = arith.constant 0 : i32
      %dma_start3A_65 = tpu.memref_slice %arg7[%dma_start3A_63, %dma_start3A_64] : memref<1024x40xf32, #tpu.memory_space<vmem>> -> memref<128x40xf32, #tpu.memory_space<vmem>>
      %dma_start3A_66 = arith.constant 0 : i32
      %dma_start3A_67 = tpu.memref_slice %arg6[%dma_start3A_62, %dma_start3A_66] : memref<8x128xi32, #tpu.memory_space<vmem>> -> memref<1x128xi32, #tpu.memory_space<vmem>>
      %dma_start3A_68 = tpu.memref_squeeze %dma_start3A_67 : memref<1x128xi32, #tpu.memory_space<vmem>> -> memref<128xi32, #tpu.memory_space<vmem>>
      %dma_start3A_69 = arith.constant 0 : i32
      %dma_start3A_70 = arith.constant 0 : i32
      %dma_start3A_71 = tpu.memref_slice %arg5[%dma_start3A_69, %dma_start3A_70] : memref<256x40xf32, #tpu.memory_space<hbm>> -> memref<256x40xf32, #tpu.memory_space<hbm>>
      tpu.enqueue_indirect_dma source(%dma_start3A_71 : memref<256x40xf32, #tpu.memory_space<hbm>>) target(%dma_start3A_65 : memref<128x40xf32, #tpu.memory_space<vmem>>) offsets(%dma_start3A_68 : memref<128xi32, #tpu.memory_space<vmem>>) semaphore(%arg9 : memref<!tpu.dma_semaphore, #tpu.memory_space<semaphore_mem>>)
      %dma_start3A_72 = arith.constant 3 : i32
      %dma_start3A_73 = arith.constant 384 : i32
      %dma_start3A_74 = arith.constant 0 : i32
      %dma_start3A_75 = tpu.memref_slice %arg7[%dma_start3A_73, %dma_start3A_74] : memref<1024x40xf32, #tpu.memory_space<vmem>> -> memref<128x40xf32, #tpu.memory_space<vmem>>
      %dma_start3A_76 = arith.constant 0 : i32
      %dma_start3A_77 = tpu.memref_slice %arg6[%dma_start3A_72, %dma_start3A_76] : memref<8x128xi32, #tpu.memory_space<vmem>> -> memref<1x128xi32, #tpu.memory_space<vmem>>
      %dma_start3A_78 = tpu.memref_squeeze %dma_start3A_77 : memref<1x128xi32, #tpu.memory_space<vmem>> -> memref<128xi32, #tpu.memory_space<vmem>>
      %dma_start3A_79 = arith.constant 0 : i32
      %dma_start3A_80 = arith.constant 0 : i32
      %dma_start3A_81 = tpu.memref_slice %arg5[%dma_start3A_79, %dma_start3A_80] : memref<256x40xf32, #tpu.memory_space<hbm>> -> memref<256x40xf32, #tpu.memory_space<hbm>>
      tpu.enqueue_indirect_dma source(%dma_start3A_81 : memref<256x40xf32, #tpu.memory_space<hbm>>) target(%dma_start3A_75 : memref<128x40xf32, #tpu.memory_space<vmem>>) offsets(%dma_start3A_78 : memref<128xi32, #tpu.memory_space<vmem>>) semaphore(%arg9 : memref<!tpu.dma_semaphore, #tpu.memory_space<semaphore_mem>>)
      %dma_start3A_82 = arith.constant 4 : i32
      %dma_start3A_83 = arith.constant 512 : i32
      %dma_start3A_84 = arith.constant 0 : i32
      %dma_start3A_85 = tpu.memref_slice %arg7[%dma_start3A_83, %dma_start3A_84] : memref<1024x40xf32, #tpu.memory_space<vmem>> -> memref<128x40xf32, #tpu.memory_space<vmem>>
      %dma_start3A_86 = arith.constant 0 : i32
      %dma_start3A_87 = tpu.memref_slice %arg6[%dma_start3A_82, %dma_start3A_86] : memref<8x128xi32, #tpu.memory_space<vmem>> -> memref<1x128xi32, #tpu.memory_space<vmem>>
      %dma_start3A_88 = tpu.memref_squeeze %dma_start3A_87 : memref<1x128xi32, #tpu.memory_space<vmem>> -> memref<128xi32, #tpu.memory_space<vmem>>
      %dma_start3A_89 = arith.constant 0 : i32
      %dma_start3A_90 = arith.constant 0 : i32
      %dma_start3A_91 = tpu.memref_slice %arg5[%dma_start3A_89, %dma_start3A_90] : memref<256x40xf32, #tpu.memory_space<hbm>> -> memref<256x40xf32, #tpu.memory_space<hbm>>
      tpu.enqueue_indirect_dma source(%dma_start3A_91 : memref<256x40xf32, #tpu.memory_space<hbm>>) target(%dma_start3A_85 : memref<128x40xf32, #tpu.memory_space<vmem>>) offsets(%dma_start3A_88 : memref<128xi32, #tpu.memory_space<vmem>>) semaphore(%arg9 : memref<!tpu.dma_semaphore, #tpu.memory_space<semaphore_mem>>)
      %dma_start3A_92 = arith.constant 5 : i32
      %dma_start3A_93 = arith.constant 640 : i32
      %dma_start3A_94 = arith.constant 0 : i32
      %dma_start3A_95 = tpu.memref_slice %arg7[%dma_start3A_93, %dma_start3A_94] : memref<1024x40xf32, #tpu.memory_space<vmem>> -> memref<128x40xf32, #tpu.memory_space<vmem>>
      %dma_start3A_96 = arith.constant 0 : i32
      %dma_start3A_97 = tpu.memref_slice %arg6[%dma_start3A_92, %dma_start3A_96] : memref<8x128xi32, #tpu.memory_space<vmem>> -> memref<1x128xi32, #tpu.memory_space<vmem>>
      %dma_start3A_98 = tpu.memref_squeeze %dma_start3A_97 : memref<1x128xi32, #tpu.memory_space<vmem>> -> memref<128xi32, #tpu.memory_space<vmem>>
      %dma_start3A_99 = arith.constant 0 : i32
      %dma_start3A_100 = arith.constant 0 : i32
      %dma_start3A_101 = tpu.memref_slice %arg5[%dma_start3A_99, %dma_start3A_100] : memref<256x40xf32, #tpu.memory_space<hbm>> -> memref<256x40xf32, #tpu.memory_space<hbm>>
      tpu.enqueue_indirect_dma source(%dma_start3A_101 : memref<256x40xf32, #tpu.memory_space<hbm>>) target(%dma_start3A_95 : memref<128x40xf32, #tpu.memory_space<vmem>>) offsets(%dma_start3A_98 : memref<128xi32, #tpu.memory_space<vmem>>) semaphore(%arg9 : memref<!tpu.dma_semaphore, #tpu.memory_space<semaphore_mem>>)
      %dma_start3A_102 = arith.constant 6 : i32
      %dma_start3A_103 = arith.constant 768 : i32
      %dma_start3A_104 = arith.constant 0 : i32
      %dma_start3A_105 = tpu.memref_slice %arg7[%dma_start3A_103, %dma_start3A_104] : memref<1024x40xf32, #tpu.memory_space<vmem>> -> memref<128x40xf32, #tpu.memory_space<vmem>>
      %dma_start3A_106 = arith.constant 0 : i32
      %dma_start3A_107 = tpu.memref_slice %arg6[%dma_start3A_102, %dma_start3A_106] : memref<8x128xi32, #tpu.memory_space<vmem>> -> memref<1x128xi32, #tpu.memory_space<vmem>>
      %dma_start3A_108 = tpu.memref_squeeze %dma_start3A_107 : memref<1x128xi32, #tpu.memory_space<vmem>> -> memref<128xi32, #tpu.memory_space<vmem>>
      %dma_start3A_109 = arith.constant 0 : i32
      %dma_start3A_110 = arith.constant 0 : i32
      %dma_start3A_111 = tpu.memref_slice %arg5[%dma_start3A_109, %dma_start3A_110] : memref<256x40xf32, #tpu.memory_space<hbm>> -> memref<256x40xf32, #tpu.memory_space<hbm>>
      tpu.enqueue_indirect_dma source(%dma_start3A_111 : memref<256x40xf32, #tpu.memory_space<hbm>>) target(%dma_start3A_105 : memref<128x40xf32, #tpu.memory_space<vmem>>) offsets(%dma_start3A_108 : memref<128xi32, #tpu.memory_space<vmem>>) semaphore(%arg9 : memref<!tpu.dma_semaphore, #tpu.memory_space<semaphore_mem>>)
      %dma_start3A_112 = arith.constant 7 : i32
      %dma_start3A_113 = arith.constant 896 : i32
      %dma_start3A_114 = arith.constant 0 : i32
      %dma_start3A_115 = tpu.memref_slice %arg7[%dma_start3A_113, %dma_start3A_114] : memref<1024x40xf32, #tpu.memory_space<vmem>> -> memref<128x40xf32, #tpu.memory_space<vmem>>
      %dma_start3A_116 = arith.constant 0 : i32
      %dma_start3A_117 = tpu.memref_slice %arg6[%dma_start3A_112, %dma_start3A_116] : memref<8x128xi32, #tpu.memory_space<vmem>> -> memref<1x128xi32, #tpu.memory_space<vmem>>
      %dma_start3A_118 = tpu.memref_squeeze %dma_start3A_117 : memref<1x128xi32, #tpu.memory_space<vmem>> -> memref<128xi32, #tpu.memory_space<vmem>>
      %dma_start3A_119 = arith.constant 0 : i32
      %dma_start3A_120 = arith.constant 0 : i32
      %dma_start3A_121 = tpu.memref_slice %arg5[%dma_start3A_119, %dma_start3A_120] : memref<256x40xf32, #tpu.memory_space<hbm>> -> memref<256x40xf32, #tpu.memory_space<hbm>>
      tpu.enqueue_indirect_dma source(%dma_start3A_121 : memref<256x40xf32, #tpu.memory_space<hbm>>) target(%dma_start3A_115 : memref<128x40xf32, #tpu.memory_space<vmem>>) offsets(%dma_start3A_118 : memref<128xi32, #tpu.memory_space<vmem>>) semaphore(%arg9 : memref<!tpu.dma_semaphore, #tpu.memory_space<semaphore_mem>>)
      %dma_wait3A = arith.constant 0 : i32
      %dma_wait3A_122 = arith.constant 0 : i32
      %dma_wait3A_123 = arith.constant 0 : i32
      %dma_wait3A_124 = tpu.memref_slice %arg7[%dma_wait3A_122, %dma_wait3A_123] : memref<1024x40xf32, #tpu.memory_space<vmem>> -> memref<128x40xf32, #tpu.memory_space<vmem>>
      %dma_wait3A_125 = arith.constant 0 : i32
      %dma_wait3A_126 = tpu.memref_slice %arg6[%dma_wait3A, %dma_wait3A_125] : memref<8x128xi32, #tpu.memory_space<vmem>> -> memref<1x128xi32, #tpu.memory_space<vmem>>
      %dma_wait3A_127 = tpu.memref_squeeze %dma_wait3A_126 : memref<1x128xi32, #tpu.memory_space<vmem>> -> memref<128xi32, #tpu.memory_space<vmem>>
      %dma_wait3A_128 = arith.constant 0 : i32
      %dma_wait3A_129 = arith.constant 0 : i32
      %dma_wait3A_130 = tpu.memref_slice %arg5[%dma_wait3A_128, %dma_wait3A_129] : memref<256x40xf32, #tpu.memory_space<hbm>> -> memref<256x40xf32, #tpu.memory_space<hbm>>
      tpu.wait_indirect_dma semaphore(%arg9 : memref<!tpu.dma_semaphore, #tpu.memory_space<semaphore_mem>>) src(%dma_wait3A_130 : memref<256x40xf32, #tpu.memory_space<hbm>>) dst(%dma_wait3A_124 : memref<128x40xf32, #tpu.memory_space<vmem>>)
      %dma_wait3A_131 = arith.constant 1 : i32
      %dma_wait3A_132 = arith.constant 128 : i32
      %dma_wait3A_133 = arith.constant 0 : i32
      %dma_wait3A_134 = tpu.memref_slice %arg7[%dma_wait3A_132, %dma_wait3A_133] : memref<1024x40xf32, #tpu.memory_space<vmem>> -> memref<128x40xf32, #tpu.memory_space<vmem>>
      %dma_wait3A_135 = arith.constant 0 : i32
      %dma_wait3A_136 = tpu.memref_slice %arg6[%dma_wait3A_131, %dma_wait3A_135] : memref<8x128xi32, #tpu.memory_space<vmem>> -> memref<1x128xi32, #tpu.memory_space<vmem>>
      %dma_wait3A_137 = tpu.memref_squeeze %dma_wait3A_136 : memref<1x128xi32, #tpu.memory_space<vmem>> -> memref<128xi32, #tpu.memory_space<vmem>>
      %dma_wait3A_138 = arith.constant 0 : i32
      %dma_wait3A_139 = arith.constant 0 : i32
      %dma_wait3A_140 = tpu.memref_slice %arg5[%dma_wait3A_138, %dma_wait3A_139] : memref<256x40xf32, #tpu.memory_space<hbm>> -> memref<256x40xf32, #tpu.memory_space<hbm>>
      tpu.wait_indirect_dma semaphore(%arg9 : memref<!tpu.dma_semaphore, #tpu.memory_space<semaphore_mem>>) src(%dma_wait3A_140 : memref<256x40xf32, #tpu.memory_space<hbm>>) dst(%dma_wait3A_134 : memref<128x40xf32, #tpu.memory_space<vmem>>)
      %dma_wait3A_141 = arith.constant 2 : i32
      %dma_wait3A_142 = arith.constant 256 : i32
      %dma_wait3A_143 = arith.constant 0 : i32
      %dma_wait3A_144 = tpu.memref_slice %arg7[%dma_wait3A_142, %dma_wait3A_143] : memref<1024x40xf32, #tpu.memory_space<vmem>> -> memref<128x40xf32, #tpu.memory_space<vmem>>
      %dma_wait3A_145 = arith.constant 0 : i32
      %dma_wait3A_146 = tpu.memref_slice %arg6[%dma_wait3A_141, %dma_wait3A_145] : memref<8x128xi32, #tpu.memory_space<vmem>> -> memref<1x128xi32, #tpu.memory_space<vmem>>
      %dma_wait3A_147 = tpu.memref_squeeze %dma_wait3A_146 : memref<1x128xi32, #tpu.memory_space<vmem>> -> memref<128xi32, #tpu.memory_space<vmem>>
      %dma_wait3A_148 = arith.constant 0 : i32
      %dma_wait3A_149 = arith.constant 0 : i32
      %dma_wait3A_150 = tpu.memref_slice %arg5[%dma_wait3A_148, %dma_wait3A_149] : memref<256x40xf32, #tpu.memory_space<hbm>> -> memref<256x40xf32, #tpu.memory_space<hbm>>
      tpu.wait_indirect_dma semaphore(%arg9 : memref<!tpu.dma_semaphore, #tpu.memory_space<semaphore_mem>>) src(%dma_wait3A_150 : memref<256x40xf32, #tpu.memory_space<hbm>>) dst(%dma_wait3A_144 : memref<128x40xf32, #tpu.memory_space<vmem>>)
      %dma_wait3A_151 = arith.constant 3 : i32
      %dma_wait3A_152 = arith.constant 384 : i32
      %dma_wait3A_153 = arith.constant 0 : i32
      %dma_wait3A_154 = tpu.memref_slice %arg7[%dma_wait3A_152, %dma_wait3A_153] : memref<1024x40xf32, #tpu.memory_space<vmem>> -> memref<128x40xf32, #tpu.memory_space<vmem>>
      %dma_wait3A_155 = arith.constant 0 : i32
      %dma_wait3A_156 = tpu.memref_slice %arg6[%dma_wait3A_151, %dma_wait3A_155] : memref<8x128xi32, #tpu.memory_space<vmem>> -> memref<1x128xi32, #tpu.memory_space<vmem>>
      %dma_wait3A_157 = tpu.memref_squeeze %dma_wait3A_156 : memref<1x128xi32, #tpu.memory_space<vmem>> -> memref<128xi32, #tpu.memory_space<vmem>>
      %dma_wait3A_158 = arith.constant 0 : i32
      %dma_wait3A_159 = arith.constant 0 : i32
      %dma_wait3A_160 = tpu.memref_slice %arg5[%dma_wait3A_158, %dma_wait3A_159] : memref<256x40xf32, #tpu.memory_space<hbm>> -> memref<256x40xf32, #tpu.memory_space<hbm>>
      tpu.wait_indirect_dma semaphore(%arg9 : memref<!tpu.dma_semaphore, #tpu.memory_space<semaphore_mem>>) src(%dma_wait3A_160 : memref<256x40xf32, #tpu.memory_space<hbm>>) dst(%dma_wait3A_154 : memref<128x40xf32, #tpu.memory_space<vmem>>)
      %dma_wait3A_161 = arith.constant 4 : i32
      %dma_wait3A_162 = arith.constant 512 : i32
      %dma_wait3A_163 = arith.constant 0 : i32
      %dma_wait3A_164 = tpu.memref_slice %arg7[%dma_wait3A_162, %dma_wait3A_163] : memref<1024x40xf32, #tpu.memory_space<vmem>> -> memref<128x40xf32, #tpu.memory_space<vmem>>
      %dma_wait3A_165 = arith.constant 0 : i32
      %dma_wait3A_166 = tpu.memref_slice %arg6[%dma_wait3A_161, %dma_wait3A_165] : memref<8x128xi32, #tpu.memory_space<vmem>> -> memref<1x128xi32, #tpu.memory_space<vmem>>
      %dma_wait3A_167 = tpu.memref_squeeze %dma_wait3A_166 : memref<1x128xi32, #tpu.memory_space<vmem>> -> memref<128xi32, #tpu.memory_space<vmem>>
      %dma_wait3A_168 = arith.constant 0 : i32
      %dma_wait3A_169 = arith.constant 0 : i32
      %dma_wait3A_170 = tpu.memref_slice %arg5[%dma_wait3A_168, %dma_wait3A_169] : memref<256x40xf32, #tpu.memory_space<hbm>> -> memref<256x40xf32, #tpu.memory_space<hbm>>
      tpu.wait_indirect_dma semaphore(%arg9 : memref<!tpu.dma_semaphore, #tpu.memory_space<semaphore_mem>>) src(%dma_wait3A_170 : memref<256x40xf32, #tpu.memory_space<hbm>>) dst(%dma_wait3A_164 : memref<128x40xf32, #tpu.memory_space<vmem>>)
      %dma_wait3A_171 = arith.constant 5 : i32
      %dma_wait3A_172 = arith.constant 640 : i32
      %dma_wait3A_173 = arith.constant 0 : i32
      %dma_wait3A_174 = tpu.memref_slice %arg7[%dma_wait3A_172, %dma_wait3A_173] : memref<1024x40xf32, #tpu.memory_space<vmem>> -> memref<128x40xf32, #tpu.memory_space<vmem>>
      %dma_wait3A_175 = arith.constant 0 : i32
      %dma_wait3A_176 = tpu.memref_slice %arg6[%dma_wait3A_171, %dma_wait3A_175] : memref<8x128xi32, #tpu.memory_space<vmem>> -> memref<1x128xi32, #tpu.memory_space<vmem>>
      %dma_wait3A_177 = tpu.memref_squeeze %dma_wait3A_176 : memref<1x128xi32, #tpu.memory_space<vmem>> -> memref<128xi32, #tpu.memory_space<vmem>>
      %dma_wait3A_178 = arith.constant 0 : i32
      %dma_wait3A_179 = arith.constant 0 : i32
      %dma_wait3A_180 = tpu.memref_slice %arg5[%dma_wait3A_178, %dma_wait3A_179] : memref<256x40xf32, #tpu.memory_space<hbm>> -> memref<256x40xf32, #tpu.memory_space<hbm>>
      tpu.wait_indirect_dma semaphore(%arg9 : memref<!tpu.dma_semaphore, #tpu.memory_space<semaphore_mem>>) src(%dma_wait3A_180 : memref<256x40xf32, #tpu.memory_space<hbm>>) dst(%dma_wait3A_174 : memref<128x40xf32, #tpu.memory_space<vmem>>)
      %dma_wait3A_181 = arith.constant 6 : i32
      %dma_wait3A_182 = arith.constant 768 : i32
      %dma_wait3A_183 = arith.constant 0 : i32
      %dma_wait3A_184 = tpu.memref_slice %arg7[%dma_wait3A_182, %dma_wait3A_183] : memref<1024x40xf32, #tpu.memory_space<vmem>> -> memref<128x40xf32, #tpu.memory_space<vmem>>
      %dma_wait3A_185 = arith.constant 0 : i32
      %dma_wait3A_186 = tpu.memref_slice %arg6[%dma_wait3A_181, %dma_wait3A_185] : memref<8x128xi32, #tpu.memory_space<vmem>> -> memref<1x128xi32, #tpu.memory_space<vmem>>
      %dma_wait3A_187 = tpu.memref_squeeze %dma_wait3A_186 : memref<1x128xi32, #tpu.memory_space<vmem>> -> memref<128xi32, #tpu.memory_space<vmem>>
      %dma_wait3A_188 = arith.constant 0 : i32
      %dma_wait3A_189 = arith.constant 0 : i32
      %dma_wait3A_190 = tpu.memref_slice %arg5[%dma_wait3A_188, %dma_wait3A_189] : memref<256x40xf32, #tpu.memory_space<hbm>> -> memref<256x40xf32, #tpu.memory_space<hbm>>
      tpu.wait_indirect_dma semaphore(%arg9 : memref<!tpu.dma_semaphore, #tpu.memory_space<semaphore_mem>>) src(%dma_wait3A_190 : memref<256x40xf32, #tpu.memory_space<hbm>>) dst(%dma_wait3A_184 : memref<128x40xf32, #tpu.memory_space<vmem>>)
      %dma_wait3A_191 = arith.constant 7 : i32
      %dma_wait3A_192 = arith.constant 896 : i32
      %dma_wait3A_193 = arith.constant 0 : i32
      %dma_wait3A_194 = tpu.memref_slice %arg7[%dma_wait3A_192, %dma_wait3A_193] : memref<1024x40xf32, #tpu.memory_space<vmem>> -> memref<128x40xf32, #tpu.memory_space<vmem>>
      %dma_wait3A_195 = arith.constant 0 : i32
      %dma_wait3A_196 = tpu.memref_slice %arg6[%dma_wait3A_191, %dma_wait3A_195] : memref<8x128xi32, #tpu.memory_space<vmem>> -> memref<1x128xi32, #tpu.memory_space<vmem>>
      %dma_wait3A_197 = tpu.memref_squeeze %dma_wait3A_196 : memref<1x128xi32, #tpu.memory_space<vmem>> -> memref<128xi32, #tpu.memory_space<vmem>>
      %dma_wait3A_198 = arith.constant 0 : i32
      %dma_wait3A_199 = arith.constant 0 : i32
      %dma_wait3A_200 = tpu.memref_slice %arg5[%dma_wait3A_198, %dma_wait3A_199] : memref<256x40xf32, #tpu.memory_space<hbm>> -> memref<256x40xf32, #tpu.memory_space<hbm>>
      tpu.wait_indirect_dma semaphore(%arg9 : memref<!tpu.dma_semaphore, #tpu.memory_space<semaphore_mem>>) src(%dma_wait3A_200 : memref<256x40xf32, #tpu.memory_space<hbm>>) dst(%dma_wait3A_194 : memref<128x40xf32, #tpu.memory_space<vmem>>)
      "tpu.region"() ({
        %run_scoped3A = tpu.sem_alloc : memref<!tpu.dma_semaphore, #tpu.memory_space<semaphore_mem>>
        %dma_start3A_201 = arith.constant 0 : i32
        %dma_start3A_202 = tpu.memref_slice %arg4[%add3A_26, %dma_start3A_201] : memref<491520x40xf32, #tpu.memory_space<hbm>> -> memref<1024x40xf32, #tpu.memory_space<hbm>>
        %dma_start3A_203 = arith.constant 0 : i32
        %dma_start3A_204 = tpu.memref_slice %arg4[%add3A_26, %dma_start3A_203] : memref<491520x40xf32, #tpu.memory_space<hbm>> -> memref<1024x40xf32, #tpu.memory_space<hbm>>
        tpu.enqueue_dma source(%arg7 : memref<1024x40xf32, #tpu.memory_space<vmem>>) target(%dma_start3A_204 : memref<1024x40xf32, #tpu.memory_space<hbm>>) target_semaphore(%run_scoped3A : memref<!tpu.dma_semaphore, #tpu.memory_space<semaphore_mem>>)
        %dma_wait3A_205 = arith.constant 0 : i32
        %dma_wait3A_206 = tpu.memref_slice %arg4[%add3A_26, %dma_wait3A_205] : memref<491520x40xf32, #tpu.memory_space<hbm>> -> memref<1024x40xf32, #tpu.memory_space<hbm>>
        %dma_wait3A_207 = arith.constant 0 : i32
        %dma_wait3A_208 = tpu.memref_slice %arg4[%add3A_26, %dma_wait3A_207] : memref<491520x40xf32, #tpu.memory_space<hbm>> -> memref<1024x40xf32, #tpu.memory_space<hbm>>
        tpu.wait_dma2 semaphore(%run_scoped3A : memref<!tpu.dma_semaphore, #tpu.memory_space<semaphore_mem>>) src(%arg7 : memref<1024x40xf32, #tpu.memory_space<vmem>>) dst(%dma_wait3A_208 : memref<1024x40xf32, #tpu.memory_space<hbm>>)
        tpu.yield
      }) : () -> ()
    }
    %scan3A_22 = arith.constant 15 : i32
    return
  }
}

module attributes {stable_mosaic.version = 14 : i64} {
  func.func @_compress_body(%arg0: i32, %arg1: memref<1x1x4096xi32, #tpu.memory_space<vmem>>, %arg2: memref<1x4096x36xf32, #tpu.memory_space<vmem>>, %arg3: memref<64x128xf32, #tpu.memory_space<vmem>>) attributes {dimension_semantics = [#tpu.dimension_semantics<arbitrary>], iteration_bounds = array<i64: 120>, scalar_prefetch = 0 : i64, scratch_operands = 0 : i64, tpu.core_type = #tpu.core_type<tc>, window_params = [{transform_indices = @transform_0, window_bounds = array<i64: 1, 1, 4096>}, {transform_indices = @transform_1, window_bounds = array<i64: 1, 4096, 36>}, {transform_indices = @transform_2, window_bounds = array<i64: 64, 128>}]} {
    %get3A = arith.constant 0 : index
    %get3A_0 = arith.constant 0 : index
    %get3A_1 = arith.constant 0 : index
    %get3A_2 = vector.load %arg1[%get3A, %get3A_0, %get3A_1] : memref<1x1x4096xi32, #tpu.memory_space<vmem>>, vector<1x1x4096xi32>
    %get3A_3 = vector.shape_cast %get3A_2 : vector<1x1x4096xi32> to vector<4096xi32>
    %jit3A = arith.constant 30 : i32
    %div3A = arith.divsi %arg0, %jit3A : i32
    %sign3A = arith.constant 0 : i32
    %sign3A_4 = arith.cmpi sgt, %arg0, %sign3A : i32
    %sign3A_5 = arith.extui %sign3A_4 : i1 to i32
    %sign3A_6 = arith.constant 0 : i32
    %sign3A_7 = arith.cmpi slt, %arg0, %sign3A_6 : i32
    %sign3A_8 = arith.extui %sign3A_7 : i1 to i32
    %sign3A_9 = arith.subi %sign3A_5, %sign3A_8 : i32
    %sign3A_10 = arith.constant 0 : i32
    %sign3A_11 = arith.cmpi sgt, %jit3A, %sign3A_10 : i32
    %sign3A_12 = arith.extui %sign3A_11 : i1 to i32
    %sign3A_13 = arith.constant 0 : i32
    %sign3A_14 = arith.cmpi slt, %jit3A, %sign3A_13 : i32
    %sign3A_15 = arith.extui %sign3A_14 : i1 to i32
    %sign3A_16 = arith.subi %sign3A_12, %sign3A_15 : i32
    %ne3A = arith.cmpi ne, %sign3A_9, %sign3A_16 : i32
    %rem3A = arith.remsi %arg0, %jit3A : i32
    %ne3A_17 = arith.constant 0 : i32
    %ne3A_18 = arith.cmpi ne, %rem3A, %ne3A_17 : i32
    %and3A = arith.andi %ne3A, %ne3A_18 : i1
    %sub3A = arith.constant 1 : i32
    %sub3A_19 = arith.subi %div3A, %sub3A : i32
    %select_n3A = arith.select %and3A, %sub3A_19, %div3A : i32
    %mul3A = arith.constant 64 : i32
    %mul3A_20 = arith.muli %mul3A, %select_n3A : i32
    %broadcast_in_dim3A = vector.shape_cast %get3A_3 : vector<4096xi32> to vector<4096x1xi32>
    %iota3A = tpu.iota {dimensions = array<i32: 1>} : vector<4096x64xi32>
    %add3A = vector.broadcast %mul3A_20 : i32 to vector<4096x64xi32>
    %add3A_21 = arith.addi %iota3A, %add3A : vector<4096x64xi32>
    %eq3A = vector.broadcast %broadcast_in_dim3A : vector<4096x1xi32> to vector<4096x64xi32>
    %eq3A_22 = arith.cmpi eq, %eq3A, %add3A_21 : vector<4096x64xi32>
    %convert_element_type3A = arith.extui %eq3A_22 : vector<4096x64xi1> to vector<4096x64xi32>
    %convert_element_type3A_23 = arith.sitofp %convert_element_type3A : vector<4096x64xi32> to vector<4096x64xf32>
    %get3A_24 = arith.constant 0 : index
    %get3A_25 = arith.constant 0 : index
    %get3A_26 = arith.constant 0 : index
    %get3A_27 = vector.load %arg2[%get3A_24, %get3A_25, %get3A_26] : memref<1x4096x36xf32, #tpu.memory_space<vmem>>, vector<1x4096x36xf32>
    %get3A_28 = vector.shape_cast %get3A_27 : vector<1x4096x36xf32> to vector<4096x36xf32>
    %dot_general3A = arith.constant dense<0.000000e+00> : vector<64x36xf32>
    %dot_general3A_29 = tpu.matmul %convert_element_type3A_23, %get3A_28, %dot_general3A {dimension_numbers = #tpu.dot_dimension_numbers<[0], [0], [1], [1], [0, 1, 1, 1], [], []>, precision = #tpu.contract_precision<fp32>, transpose_lhs_hint = false} : vector<4096x64xf32>, vector<4096x36xf32>, vector<64x36xf32> -> vector<64x36xf32>
    %jit3A_30 = arith.constant 30 : i32
    %eq3A_31 = arith.constant 0 : i32
    %eq3A_32 = arith.cmpi eq, %jit3A_30, %eq3A_31 : i32
    %jit3A_33 = arith.constant 1 : i32
    %select_n3A_34 = arith.select %eq3A_32, %jit3A_33, %jit3A_30 : i32
    %rem3A_35 = arith.remsi %arg0, %select_n3A_34 : i32
    %ne3A_36 = arith.constant 0 : i32
    %ne3A_37 = arith.cmpi ne, %rem3A_35, %ne3A_36 : i32
    %lt3A = arith.constant 0 : i32
    %lt3A_38 = arith.cmpi slt, %rem3A_35, %lt3A : i32
    %lt3A_39 = arith.constant 0 : i32
    %lt3A_40 = arith.cmpi slt, %select_n3A_34, %lt3A_39 : i32
    %ne3A_41 = arith.xori %lt3A_38, %lt3A_40 : i1
    %and3A_42 = arith.andi %ne3A_41, %ne3A_37 : i1
    %add3A_43 = arith.addi %rem3A_35, %select_n3A_34 : i32
    %select_n3A_44 = arith.select %and3A_42, %add3A_43, %rem3A_35 : i32
    %eq3A_45 = arith.constant 0 : i32
    %eq3A_46 = arith.cmpi eq, %select_n3A_44, %eq3A_45 : i32
    %convert_element_type3A_47 = arith.extui %eq3A_46 : i1 to i32
    %cond3A = arith.constant 0 : i32
    %cond3A_48 = arith.cmpi ne, %convert_element_type3A_47, %cond3A : i32
    scf.if %cond3A_48 {
      %broadcast_in_dim3A_55 = arith.constant 0.000000e+00 : f32
      %broadcast_in_dim3A_56 = vector.broadcast %broadcast_in_dim3A_55 : f32 to vector<64x128xf32>
      %swap3A_57 = arith.constant 0 : index
      %swap3A_58 = arith.constant 0 : index
      %swap3A_59 = vector.load %arg3[%swap3A_57, %swap3A_58] : memref<64x128xf32, #tpu.memory_space<vmem>>, vector<64x128xf32>
      tpu.vector_store %arg3[%swap3A_57, %swap3A_58], %broadcast_in_dim3A_56 {strides = array<i32>} : memref<64x128xf32, #tpu.memory_space<vmem>>, vector<64x128xf32>,
    } else {
    }
    %get3A_49 = arith.constant 0 : index
    %get3A_50 = arith.constant 0 : index
    %get3A_51 = vector.load %arg3[%get3A_49, %get3A_50] : memref<64x128xf32, #tpu.memory_space<vmem>>, vector<64x36xf32>
    %add3A_52 = arith.addf %get3A_51, %dot_general3A_29 : vector<64x36xf32>
    %swap3A = arith.constant 0 : index
    %swap3A_53 = arith.constant 0 : index
    %swap3A_54 = vector.load %arg3[%swap3A, %swap3A_53] : memref<64x128xf32, #tpu.memory_space<vmem>>, vector<64x36xf32>
    tpu.vector_store %arg3[%swap3A, %swap3A_53], %add3A_52 {strides = array<i32>} : memref<64x128xf32, #tpu.memory_space<vmem>>, vector<64x36xf32>,
    return
  }
  func.func @transform_0(%arg0: i32) -> (i32, i32, i32) {
    %c0_i32 = arith.constant 0 : i32
    %c0_i32_0 = arith.constant 0 : i32
    %c0_i32_1 = arith.constant 0 : i32
    return %arg0, %c0_i32, %c0_i32_0 : i32, i32, i32
  }
  func.func @transform_1(%arg0: i32) -> (i32, i32, i32) {
    %c0_i32 = arith.constant 0 : i32
    %c0_i32_0 = arith.constant 0 : i32
    %c0_i32_1 = arith.constant 0 : i32
    return %arg0, %c0_i32, %c0_i32_0 : i32, i32, i32
  }
  func.func @transform_2(%arg0: i32) -> (i32, i32) {
    %jit3A = arith.constant 30 : i32
    %div3A = arith.divsi %arg0, %jit3A : i32
    %sign3A = arith.constant 0 : i32
    %sign3A_0 = arith.cmpi sgt, %arg0, %sign3A : i32
    %sign3A_1 = arith.extui %sign3A_0 : i1 to i32
    %sign3A_2 = arith.constant 0 : i32
    %sign3A_3 = arith.cmpi slt, %arg0, %sign3A_2 : i32
    %sign3A_4 = arith.extui %sign3A_3 : i1 to i32
    %sign3A_5 = arith.subi %sign3A_1, %sign3A_4 : i32
    %sign3A_6 = arith.constant 0 : i32
    %sign3A_7 = arith.cmpi sgt, %jit3A, %sign3A_6 : i32
    %sign3A_8 = arith.extui %sign3A_7 : i1 to i32
    %sign3A_9 = arith.constant 0 : i32
    %sign3A_10 = arith.cmpi slt, %jit3A, %sign3A_9 : i32
    %sign3A_11 = arith.extui %sign3A_10 : i1 to i32
    %sign3A_12 = arith.subi %sign3A_8, %sign3A_11 : i32
    %ne3A = arith.cmpi ne, %sign3A_5, %sign3A_12 : i32
    %rem3A = arith.remsi %arg0, %jit3A : i32
    %ne3A_13 = arith.constant 0 : i32
    %ne3A_14 = arith.cmpi ne, %rem3A, %ne3A_13 : i32
    %and3A = arith.andi %ne3A, %ne3A_14 : i1
    %sub3A = arith.constant 1 : i32
    %sub3A_15 = arith.subi %div3A, %sub3A : i32
    %select_n3A = arith.select %and3A, %sub3A_15, %div3A : i32
    %c0_i32 = arith.constant 0 : i32
    %c0_i32_16 = arith.constant 0 : i32
    return %select_n3A, %c0_i32 : i32, i32
  }
}

</mosaic_0001>

<sc_bundles>
// kernel: _run.4.cloned.1.call-start
scs
__scs_entry_jumppad:
0x0: {  	(pc) =	sbr.rel $0x88, $3  }
0x1: {  	(tag) =	ssettag $0x0;
	lr =	simm.s32 $0x1  }
0x2: {  	[smem:$0x3F9F] =	sst lr;
	_ =	strace $0xD0000000  }
0x3: {  	_ = 	snop  }
0x4: {  	_ = 	snop  }
0x5: {  	_ = 	snop  }
0x6: {  	_ = 	snop  }
0x7: {  	_ = 	snop  }
__scs_overlays_trampoline_lowered:
0x8: {  	[smem:$0x3FAE] =	sst s0  }
0x9: {  	[smem:$0x3FAF] =	sst s1  }
0xa: {  	[smem:$0x3FB0] =	sst s2  }
0xb: {  	[smem:$0x3FB1] =	sst s3  }
0xc: {  	[smem:$0x3FB2] =	sst s4  }
0xd: {  	[smem:$0x3FB3] =	sst s5  }
0xe: {  	[smem:$0x3FB4] =	sst s6  }
0xf: {  	[smem:$0x3FB5] =	sst s7  }
0x10: {  	[smem:$0x3FB6] =	sst s8  }
0x11: {  	[smem:$0x3FB7] =	sst s9;
	s0 =	simm.s32 @!p0 $0x0  }
0x12: {  	s1 =	sld [smem:$0x3F9D];
	s0 =	simm.s32 @p0 $0x1  }
0x13: {  	[smem:$0x3FB8] =	sst s0;
	s0 =	simm.s32 @!p1 $0x0  }
0x14: {  	s2 =	sld [smem:$0x3F9C];
	s0 =	simm.s32 @p1 $0x1  }
0x15: {  	[smem:$0x3FB9] =	sst s0;
	s0 =	simm.s32 @!p2 $0x0  }
0x16: {  	s3 =	sld [smem:$0x3FDB];
	s0 =	simm.s32 @p2 $0x1  }
0x17: {  	s4 =	simm.s32 $0x1BF5;
	[smem:$0x3FBB] =	sst s0  }
0x18: {  	s0 =	sld [smem:$0x3F9E];
	_ =	swait.ge [sflag:s4], $0x0  }
0x19: {  	s7 =	sld [smem:$0x3F9F]  }
0x1a: {  	s8 =	sadd.s32 $0xFFFFE003, lr  }
0x1b: {  	s9 =	sadd.s32 $0xFFFFFEF7, lr;
	s5 =	simm.s32 $0xFFFFFFFF;
	p2 =	slt.u32 s8, $0xFFFFF086  }
0x1c: {  	p1 =	slt.u32 s9, $0xF7A;
	s5 =	simm.s32 @!p2 $0x0  }
0x1d: {  	s5 =	simm.s32 @p1 $0x1;
	p0 =	seq.s32 s7, s2  }
0x1e: {  	s7 =	smul.u32 @!p0 $0xF7A, s2;
	p2 =	seq.s32 @!p0 s5, $0x0  }
0x1f: {  	s9 =	smul.u32 $0xF7A, s1;
	s8 =	simm.s32 @!p0 $0x1BF5;
	p2 =	por !p2, p0  }
0x20: {  	[sflag:s8] =	ssyncset.s32 @!p0 $0xFFFFF086;
	s6 =	sadd.s32 @!p0 s3, s7;
	s7 =	simm.s32 @!p0 $0x108  }
0x21: {  	s3 =	sadd.s32 s3, s9;
	s6 =	sadd.s32 @!p0 $0x88, s6;
	s7 =	simm.s32 @p2 $0x1082  }
0x22: {  	[simem:s7], [sflag:s8] =	dma.local @!p0 [hbm:s6], $0xF7A  }
0x23: {  	s9 =	sor.u32 $0xD0000000, s2;
	s6 =	simm.s32 $0x108;
	_ =	swait.ge @!p0 [sflag:s8], $0x0  }
0x24: {  	s3 =	sadd.s32 $0x88, s3;
	s6 =	simm.s32 @!p1 $0x1082;
	[sflag:s4] =	ssyncset.s32 $0xFFFFF086  }
0x25: {  	[simem:s6], [sflag:s4] =	dma.local [hbm:s3], $0xF7A  }
0x26: {  	[smem:$0x3F9F] =	sst s1;
	(tag) =	ssettag s2;
	_ =	strace s9  }
0x27: {  	s1 =	sld [smem:$0x3FAF]  }
0x28: {  	s2 =	sld [smem:$0x3FB0]  }
0x29: {  	s4 =	sld [smem:$0x3FB2]  }
0x2a: {  	p0 =	seq.s32 s5, $0x0;
	s5 =	sld [smem:$0x3FB3]  }
0x2b: {  	s6 =	sld [smem:$0x3FB4]  }
0x2c: {  	s7 =	sld [smem:$0x3FB5]  }
0x2d: {  	s3 =	simm.s32 $0x108;
	s8 =	sld [smem:$0x3FB6]  }
0x2e: {  	s3 =	simm.s32 @!p0 $0x1082;
	s9 =	sld [smem:$0x3FB7]  }
0x2f: {  	lr =	sadd.s32 s0, s3;
	s0 =	sld [smem:$0x3FAE]  }
0x30: {  	s3 =	sld [smem:$0x3FB1]  }
0x31: {  	[smem:$0x3FBA] =	sst s10  }
0x32: {  	s10 =	sld [smem:$0x3FB8];
	_ =	sdelay $0x3  }
0x33: {  	p0 =	seq.s32 s10, $0x1;
	s10 =	sld [smem:$0x3FBA];
	_ =	sdelay $0x3  }
0x34: {  	[smem:$0x3FBA] =	sst s10  }
0x35: {  	s10 =	sld [smem:$0x3FB9];
	_ =	sdelay $0x3  }
0x36: {  	p1 =	seq.s32 s10, $0x1;
	s10 =	sld [smem:$0x3FBA];
	_ =	sdelay $0x3  }
0x37: {  	[smem:$0x3FBA] =	sst s10  }
0x38: {  	s10 =	sld [smem:$0x3FBB]  }
0x39: {  	_ = 	snop;
	(pc) =	sbr.ind lr, $3  }
0x3a: {  	_ = 	snop  }
0x3b: {  	_ = 	snop  }
0x3c: {  	p2 =	seq.s32 s10, $0x1;
	s10 =	sld [smem:$0x3FBA]  }
0x3d: {  	_ =	shalt  }
0x3e: {  	_ =	shalt  }
0x3f: {  	_ =	shalt  }
0x40: {  	_ =	shalt  }
0x41: {  	_ =	shalt  }
0x42: {  	_ =	shalt  }
0x43: {  	_ =	shalt  }
0x44: {  	_ =	shalt  }
0x45: {  	_ =	shalt  }
0x46: {  	_ =	shalt  }
0x47: {  	_ =	shalt  }
0x48: {  	_ =	shalt  }
0x49: {  	_ =	shalt  }
0x4a: {  	_ =	shalt  }
0x4b: {  	_ =	shalt  }
0x4c: {  	_ =	shalt  }
0x4d: {  	_ =	shalt  }
0x4e: {  	_ =	shalt  }
0x4f: {  	_ =	shalt  }
0x50: {  	_ =	shalt  }
0x51: {  	_ =	shalt  }
0x52: {  	_ =	shalt  }
0x53: {  	_ =	shalt  }
0x54: {  	_ =	shalt  }
0x55: {  	_ =	shalt  }
0x56: {  	_ =	shalt  }
0x57: {  	_ =	shalt  }
0x58: {  	_ =	shalt  }
0x59: {  	_ =	shalt  }
0x5a: {  	_ =	shalt  }
0x5b: {  	_ =	shalt  }
0x5c: {  	_ =	shalt  }
0x5d: {  	_ =	shalt  }
0x5e: {  	_ =	shalt  }
0x5f: {  	_ =	shalt  }
0x60: {  	_ =	shalt  }
0x61: {  	_ =	shalt  }
0x62: {  	_ =	shalt  }
0x63: {  	_ =	shalt  }
0x64: {  	_ =	shalt  }
0x65: {  	_ =	shalt  }
0x66: {  	_ =	shalt  }
0x67: {  	_ =	shalt  }
0x68: {  	_ =	shalt  }
0x69: {  	_ =	shalt  }
0x6a: {  	_ =	shalt  }
0x6b: {  	_ =	shalt  }
0x6c: {  	_ =	shalt  }
0x6d: {  	_ =	shalt  }
0x6e: {  	_ =	shalt  }
0x6f: {  	_ =	shalt  }
0x70: {  	_ =	shalt  }
0x71: {  	_ =	shalt  }
0x72: {  	_ =	shalt  }
0x73: {  	_ =	shalt  }
0x74: {  	_ =	shalt  }
0x75: {  	_ =	shalt  }
0x76: {  	_ =	shalt  }
0x77: {  	_ =	shalt  }
0x78: {  	_ =	shalt  }
0x79: {  	_ =	shalt  }
0x7a: {  	_ =	shalt  }
0x7b: {  	_ =	shalt  }
0x7c: {  	_ =	shalt  }
0x7d: {  	_ =	shalt  }
0x7e: {  	_ =	shalt  }
0x7f: {  	_ =	shalt  }
0x80: {  	_ =	shalt  }
0x81: {  	_ =	shalt  }
0x82: {  	_ =	shalt  }
0x83: {  	_ =	shalt  }
0x84: {  	_ =	shalt  }
0x85: {  	_ =	shalt  }
0x86: {  	_ =	shalt  }
0x87: {  	_ =	shalt  }
.Lfunc_end0:
.L_simem_size_0:
called_computation.1_lowered:
.L_overlay_start_0:
0x88: {  	s2 =	sld [smem:$0x3FD9]  }
0x89: {  	s3 =	sld [smem:$0x3FFE];
	_ =	sdelay $0x1  }
0x8a: {  	s1 =	srdreg.scid  }
0x8b: {  	s0 =	sand.u32 $0x1, s1  }
0x8c: {  	s17 =	sshll.u32 s0, $0xA;
	s2 =	sadd.s32 s3, s2  }
0x8d: {  	s2 =	sadd.s32 s2, s17  }
0x8e: {  	[smem:$0x3FC6] =	sst s2  }
0x8f: {  	_ = 	snop  }
0x90: {  	s2 =	sld [smem:$0x3FC9]  }
0x91: {  	s18 =	sld [smem:$0x3FD0];
	(tm) =	ssettm $0x1  }
0x92: {  	s4 =	sld [smem:$0x3FFB];
	_ =	sdelay $0x3  }
0x93: {  	_ =	strace s4  }
0x94: {  	s4 =	sld [smem:$0x3FFC];
	_ =	sdelay $0x3  }
0x95: {  	_ =	strace s4  }
0x96: {  	s4 =	sld [smem:$0x3FFD];
	_ =	sdelay $0x3  }
0x97: {  	_ =	strace s4  }
0x98: {  	_ =	strace $0x8FFFFFFF  }
0x99: {  	s19 =	sld [smem:$0x3FDB];
	_ =	sdelay $0x1  }
0x9a: {  	s5 =	simm.s32 $_scs_section_size  }
0x9b: {  	s6 =	simm.s32 $_size__tile_overlayer_lowered;
	s7 =	simm.s32 $_tile_overlayer_lowered  }
0x9c: {  	s22 =	simm.s32 $0x1BFF;
	s21 =	sshll.u32 s7, $0x1;
	s4 =	sadd.s32 s5, s19  }
0x9d: {  	s8 =	simm.s32 $0x0;
	s20 =	sshll.u32 s6, $0x1;
	s6 =	sadd.s32 s21, s4  }
0x9e: {  	[timem:s8], [sflag:s22] =	dma.local [hbm:s6], s20  }
0x9f: {  	_ =	swait.ge [sflag:s22], s20  }
0xa0: {  	s5 =	ssub.s32 $0x0, s20;
	[sflag:s22] =	ssyncset.done $0x0  }
0xa1: {  	[sflag:s22] =	ssyncadd.s32 s5;
	_ =	sdelay $0x1  }
0xa2: {  	s23 =	simm.s32 $0x1B8B  }
0xa3: {  	_ =	swait.ge [sflag:s23], $0x1  }
0xa4: {  	[sflag:s23] =	ssyncset.done $0x0  }
0xa5: {  	s25 =	simm.s32 $0x1B8E;
	s24 =	sld [smem:$0x3FFE];
	[sflag:s23] =	ssyncadd.s32 $0xFFFFFFFF  }
0xa6: {  	s26 =	simm.s32 $execute0_lowered;
	[smem:$0x3FD2] =	sst s25  }
0xa7: {  	s6 =	sshll.u32 s26, $0x1;
	_ =	strace $0x80000046;
	[dreg:$0x1] =	wrdreg $0xFFFFFFFF  }
0xa8: {  	s28 =	simm.s32 $_size_execute0_lowered;
	s4 =	sadd.s32 s4, s6;
	[dreg:$0x0] =	wrdreg $0x0  }
0xa9: {  	s6 =	sshll.u32 s28, $0x1;
	[dreg:$0x2] =	wrdreg s4  }
0xaa: {  	[dreg:$0x3] =	wrdreg s6  }
0xab: {  	[dreg:$0x4] =	wrdreg $0xC0  }
0xac: {  	_ =	task [dreg:s8], $0x5FFFF  }
0xad: {  	[dreg:$0x1] =	wrdreg $0xFFFFFFFF  }
0xae: {  	[dreg:$0x0] =	wrdreg $0x60  }
0xaf: {  	[dreg:$0x2] =	wrdreg s2  }
0xb0: {  	[dreg:$0x3] =	wrdreg s24  }
0xb1: {  	[dreg:$0x4] =	wrdreg s18  }
0xb2: {  	[dreg:$0x5] =	wrdreg $0x9  }
0xb3: {  	_ =	task.clear_ibuf [dreg:s8], $0x6FFFF;
	_ =	strace $0x90000046  }
0xb4: {  	s29 =	simm.s32 $0x9;
	_ =	strace $0x80000048  }
0xb5: {  	_ =	swait.ge [sflag:s29], $0x1  }
0xb6: {  	[sflag:s29] =	ssyncadd.s32 $0xFFFFFFFF  }
0xb7: {  	_ =	strace $0x90000048  }
0xb8: {  	_ =	sfence  }
0xb9: {  	s30 =	sld [smem:$0x0];
	_ =	sdelay $0x2  }
0xba: {  	s31 =	sshll.u32 s1, $0xD;
	s1 =	sshrl.u32 s1, $0x2  }
0xbb: {  	s3 =	sand.u32 $0x4000, s31;
	s1 =	sadd.s32 s1, s30  }
0xbc: {  	s0 =	sor.u32 s3, s0;
	s1 =	sshll.u32 s1, $0x11  }
0xbd: {  	s0 =	sor.u32 s1, s0  }
0xbe: {  	s0 =	sadd.s32 $0x8F2B, s0  }
0xbf: {  	[sflag:s0] =	ssyncadd.remote.s32 $0x1  }
0xc0: {  	_ =	sfence.sel $0xFFFF  }
0xc1: {  	[dreg:$0x0] =	wrdreg $0xFFFFFFFF;
	(pc) =	sbr.abs _section_cstart, $3  }
0xc2: {  	[dreg:$0x1] =	wrdreg $0xFFFFFFFF  }
0xc3: {  	_ =	task.clear_ibuf [dreg:s8], $0x2FFFF;
	_ =	strace $0x9FFFFFFF  }
0xc4: {  	(tm) =	ssettm $0x7FFFFFFF  }
0xc5: {  	_ =	shalt  }
tec
execute0_lowered:
.L_overlay_start_1:
0x0: {  	(tag) =	ssettag $0x1  }
0x1: {  	s0 =	rddreg [dreg:$0x0]  }
0x2: {  	s2 =	rddreg [dreg:$0x1]  }
0x3: {  	s6 =	rddreg [dreg:$0x2]  }
0x4: {  	s1 =	simm.s32 $0x0;
	s3 =	srdreg.scid;
	s13 =	stileid.u32  }
0x5: {  	s14 =	simm.s32 $0x400;
	s15 =	simm.s32 $0x1800;
	s16 =	simm.s32 $0x100  }
0x6: {  	s17 =	simm.s32 $0x2C00;
	s18 =	simm.s32 $0x180;
	s19 =	simm.s32 $0x4000  }
0x7: {  	s20 =	simm.s32 $0x200;
	s28 =	simm.s32 $0x9000;
	s29 =	simm.s32 $0x1  }
0x8: {  	s30 =	simm.s32 $0x0;
	[smem:$0x7FF] =	sst s1;
	s10 =	smul.u32 $0x3C00, s13  }
0x9: {  	s8 =	sand.u32 $0x1, s3;
	s5 =	sshll.u32 s13, $0x3;
	s23 =	smul.u32 $0x28, s13  }
0xa: {  	s11 =	sshll.u32 s13, $0x7;
	s26 =	smul.u32 $0x12C00, s13;
	s13 =	simm.s32 $0x80  }
0xb: {  	_ =	strace $0x80000047;
	s3 =	sshll.u32 s8, $0xB;
	s9 =	smul.u32 $0x3C000, s8  }
0xc: {  	s4 =	ssub.s32 $0x2, s8;
	s22 =	sshll.u32 s8, $0x7;
	s12 =	smul.u32 $0x280, s8  }
0xd: {  	s24 =	smul.u32 $0x12C000, s8;
	s7 =	sadd.s32 s3, s2;
	s21 =	sshrl.u32 s4, $0x1  }
0xe: {  	s3 =	sadd.s32 $0x2000, s2;
	s2 =	ssub.s32 s4, s21;
	s4 =	sor.u32 s5, s22  }
0xf: {  	s7 =	sadd.s32 s11, s7;
	s25 =	sadd.s32 s12, s3;
	s9 =	sadd.s32 s10, s9  }
0x10: {  	s11 =	simm.s32 $0xA400;
	s12 =	simm.s32 $0x2;
	s21 =	simm.s32 $0x5400  }
0x11: {  	s22 =	simm.s32 $0x280;
	[dreg:$0x4] =	wrdreg s4;
	s5 =	sadd.s32 $0x8, s4  }
0x12: {  	s2 =	smax.u32 s2, $0x1;
	s7 =	sadd.s32 $0x1000, s7;
	s8 =	sadd.s32 s23, s25  }
0x13: {  	s31 =	sshrl.u32 s9, $0x3;
	s23 =	simm.s32 $0x6800;
	s25 =	simm.s32 $0x7C00  }
0x14: {  	[dreg:$0x5] =	wrdreg s2;
	s2 =	sadd.s32 s24, s6;
	s10 =	sadd.s32 s31, s0  }
0x15: {  	s24 =	simm.s32 $0x300;
	s9 =	sadd.s32 s26, s2;
	s26 =	simm.s32 $0x380  }
.LBB2_1:
0x16: {  	[tilespmem:s11], [sflag:$0x2] =	stream.linear.gather [hbm4b:s7+s1], $0x80, $0x38;
	[tilespmem:$0xA480] =	vst v63  }
0x17: {  	_ =	swait.ge [sflag:s12], $0x80  }
0x18: {  	s0 =	rddreg [dreg:$0x4]  }
0x19: {  	s0 =	sadd.s32 $0x1, s0  }
0x1a: {  	p0 =	slt.u32 s0, s5  }
.Ltmp0:
0x1b: {  	[sflag:s12] =	ssyncset.done $0x0;
	(pc) =	sbr.rel @!p0 .LBB2_3-.Ltmp0, $4  }
0x1c: {  	[sflag:s12] =	ssyncadd.s32 $0xFFFFFF80  }
0x1d: {  	[hbm4b:s8+s1] =	stream.linear.scatter [tilespmem:s11], [sflag:$0x2], $0x28, $0x38;
	[tilespmem:$0xA480] =	vst v63  }
0x1e: {  	_ =	swait.ge [sflag:s12], $0x28  }
0x1f: {  	s2 =	sadd.s32 $0x5, s8;
	s31 =	smov.u32 s7;
	[sflag:s12] =	ssyncset.done $0x0  }
.LBB2_2:
0x20: {  	s0 =	sadd.s32 $0x1, s0;
	[sflag:s12] =	ssyncadd.s32 $0xFFFFFFD8;
	s31 =	sadd.s32 $0x10, s31  }
0x21: {  	[tilespmem:s11], [sflag:$0x2] =	stream.linear.gather [hbm4b:s31+s1], $0x80, $0x38;
	[tilespmem:$0xA480] =	vst v63  }
0x22: {  	p0 =	slt.u32 s0, s5;
	_ =	swait.ge [sflag:s12], $0x80  }
.Ltmp1:
0x23: {  	[sflag:s12] =	ssyncset.done $0x0;
	(pc) =	sbr.rel @p0 .LBB2_2-.Ltmp1, $4  }
0x24: {  	[sflag:s12] =	ssyncadd.s32 $0xFFFFFF80  }
0x25: {  	[hbm4b:s2+s1] =	stream.linear.scatter [tilespmem:s11], [sflag:$0x2], $0x28, $0x38;
	[tilespmem:$0xA480] =	vst v63  }
0x26: {  	_ =	swait.ge [sflag:s12], $0x28  }
0x27: {  	s2 =	sadd.s32 $0x5, s2;
	[sflag:s12] =	ssyncset.done $0x0  }
.LBB2_3:
0x28: {  	[sflag:s12] =	ssyncadd.s32 $0xFFFFFFD8  }
0x29: {  	s0 =	sadd.s32 $0x0, s10;
	[bflag:$0x0] =	sbarrier.arrive $0xFFFF  }
0x2a: {  	[tilespmem:s1], [sflag:$0x2] =	stream.linear.gather [hbm4b:s0+s1], $0x400, $0x38;
	[tilespmem:$0xA480] =	vst v63  }
0x2b: {  	_ =	swait.ge [sflag:s12], $0x400  }
0x2c: {  	[sflag:s12] =	ssyncset.done $0x0  }
0x2d: {  	[sflag:s12] =	ssyncadd.s32 $0xFFFFFC00  }
0x2e: {  	[tilespmem:s14], [sflag:$0x1] =	stream.indirect.gather [hbm4b:s3+s13], $0x28, s1, s13, $0xb8;
	[tilespmem:$0xA480] =	vst v63  }
0x2f: {  	_ = 	snop  }
0x30: {  	[tilespmem:s15], [sflag:$0x1] =	stream.indirect.gather [hbm4b:s3+s13], $0x28, s13, s13, $0xb8;
	[tilespmem:$0xA480] =	vst v63  }
0x31: {  	_ = 	snop  }
0x32: {  	[tilespmem:s17], [sflag:$0x1] =	stream.indirect.gather [hbm4b:s3+s13], $0x28, s16, s13, $0xb8;
	[tilespmem:$0xA480] =	vst v63  }
0x33: {  	_ = 	snop  }
0x34: {  	[tilespmem:s19], [sflag:$0x1] =	stream.indirect.gather [hbm4b:s3+s13], $0x28, s18, s13, $0xb8;
	[tilespmem:$0xA480] =	vst v63  }
0x35: {  	_ = 	snop  }
0x36: {  	[tilespmem:s21], [sflag:$0x1] =	stream.indirect.gather [hbm4b:s3+s13], $0x28, s20, s13, $0xb8;
	[tilespmem:$0xA480] =	vst v63  }
0x37: {  	_ = 	snop  }
0x38: {  	[tilespmem:s23], [sflag:$0x1] =	stream.indirect.gather [hbm4b:s3+s13], $0x28, s22, s13, $0xb8;
	[tilespmem:$0xA480] =	vst v63  }
0x39: {  	_ = 	snop  }
0x3a: {  	[tilespmem:s25], [sflag:$0x1] =	stream.indirect.gather [hbm4b:s3+s13], $0x28, s24, s13, $0xb8;
	[tilespmem:$0xA480] =	vst v63  }
0x3b: {  	_ = 	snop  }
0x3c: {  	[tilespmem:s28], [sflag:$0x1] =	stream.indirect.gather [hbm4b:s3+s13], $0x28, s26, s13, $0xb8;
	[tilespmem:$0xA480] =	vst v63  }
0x3d: {  	_ =	swait.ge [sflag:s29], $0x1400  }
0x3e: {  	[sflag:s29] =	ssyncset.done $0x0  }
0x3f: {  	[sflag:s29] =	ssyncadd.s32 $0xFFFFEC00  }
0x40: {  	_ =	swait.ge [sflag:s29], $0x1400  }
0x41: {  	[sflag:s29] =	ssyncset.done $0x0  }
0x42: {  	[sflag:s29] =	ssyncadd.s32 $0xFFFFEC00  }
0x43: {  	_ =	swait.ge [sflag:s29], $0x1400  }
0x44: {  	[sflag:s29] =	ssyncset.done $0x0  }
0x45: {  	[sflag:s29] =	ssyncadd.s32 $0xFFFFEC00  }
0x46: {  	_ =	swait.ge [sflag:s29], $0x1400  }
0x47: {  	[sflag:s29] =	ssyncset.done $0x0  }
0x48: {  	[sflag:s29] =	ssyncadd.s32 $0xFFFFEC00  }
0x49: {  	_ =	swait.ge [sflag:s29], $0x1400  }
0x4a: {  	[sflag:s29] =	ssyncset.done $0x0  }
0x4b: {  	[sflag:s29] =	ssyncadd.s32 $0xFFFFEC00  }
0x4c: {  	_ =	swait.ge [sflag:s29], $0x1400  }
0x4d: {  	[sflag:s29] =	ssyncset.done $0x0  }
0x4e: {  	[sflag:s29] =	ssyncadd.s32 $0xFFFFEC00  }
0x4f: {  	_ =	swait.ge [sflag:s29], $0x1400  }
0x50: {  	[sflag:s29] =	ssyncset.done $0x0  }
0x51: {  	[sflag:s29] =	ssyncadd.s32 $0xFFFFEC00  }
0x52: {  	_ =	swait.ge [sflag:s29], $0x1400  }
0x53: {  	[sflag:s29] =	ssyncset.done $0x0  }
0x54: {  	[sflag:s29] =	ssyncadd.s32 $0xFFFFEC00  }
0x55: {  	[hbm4b:s9+s1] =	stream.linear.scatter [tilespmem:s14], [sflag:$0x2], $0xA000, $0x38;
	[tilespmem:$0xA480] =	vst v63  }
0x56: {  	s2 =	simm.s32 $0x100;
	_ =	swait.ge [sflag:s12], $0xA000  }
0x57: {  	s31 =	sadd.s32 $0x1400, s9;
	s0 =	simm.s32 $0x80;
	[sflag:s12] =	ssyncset.done $0x0  }
.LBB2_4:
0x58: {  	s4 =	sadd.s32 s0, s10  }
0x59: {  	[sflag:s12] =	ssyncadd.s32 $0xFFFF6000;
	s0 =	smov.u32 s2;
	s6 =	sadd.s32 $0x80, s2  }
0x5a: {  	[tilespmem:s1], [sflag:$0x2] =	stream.linear.gather [hbm4b:s4+s1], $0x400, $0x38;
	[tilespmem:$0xA480] =	vst v63  }
0x5b: {  	p0 =	sne.s32 s2, $0x700;
	_ =	swait.ge [sflag:s12], $0x400  }
0x5c: {  	[sflag:s12] =	ssyncset.done $0x0  }
0x5d: {  	[sflag:s12] =	ssyncadd.s32 $0xFFFFFC00  }
0x5e: {  	[tilespmem:s14], [sflag:$0x1] =	stream.indirect.gather [hbm4b:s3+s13], $0x28, s1, s13, $0xb8;
	[tilespmem:$0xA480] =	vst v63  }
0x5f: {  	_ = 	snop  }
0x60: {  	[tilespmem:s15], [sflag:$0x1] =	stream.indirect.gather [hbm4b:s3+s13], $0x28, s13, s13, $0xb8;
	[tilespmem:$0xA480] =	vst v63  }
0x61: {  	_ = 	snop  }
0x62: {  	[tilespmem:s17], [sflag:$0x1] =	stream.indirect.gather [hbm4b:s3+s13], $0x28, s16, s13, $0xb8;
	[tilespmem:$0xA480] =	vst v63  }
0x63: {  	_ = 	snop  }
0x64: {  	[tilespmem:s19], [sflag:$0x1] =	stream.indirect.gather [hbm4b:s3+s13], $0x28, s18, s13, $0xb8;
	[tilespmem:$0xA480] =	vst v63  }
0x65: {  	_ = 	snop  }
0x66: {  	[tilespmem:s21], [sflag:$0x1] =	stream.indirect.gather [hbm4b:s3+s13], $0x28, s20, s13, $0xb8;
	[tilespmem:$0xA480] =	vst v63  }
0x67: {  	_ = 	snop  }
0x68: {  	[tilespmem:s23], [sflag:$0x1] =	stream.indirect.gather [hbm4b:s3+s13], $0x28, s22, s13, $0xb8;
	[tilespmem:$0xA480] =	vst v63  }
0x69: {  	_ = 	snop  }
0x6a: {  	[tilespmem:s25], [sflag:$0x1] =	stream.indirect.gather [hbm4b:s3+s13], $0x28, s24, s13, $0xb8;
	[tilespmem:$0xA480] =	vst v63  }
0x6b: {  	_ = 	snop  }
0x6c: {  	[tilespmem:s28], [sflag:$0x1] =	stream.indirect.gather [hbm4b:s3+s13], $0x28, s26, s13, $0xb8;
	[tilespmem:$0xA480] =	vst v63  }
0x6d: {  	_ =	swait.ge [sflag:s29], $0x1400  }
0x6e: {  	[sflag:s29] =	ssyncset.done $0x0  }
0x6f: {  	[sflag:s29] =	ssyncadd.s32 $0xFFFFEC00  }
0x70: {  	_ =	swait.ge [sflag:s29], $0x1400  }
0x71: {  	[sflag:s29] =	ssyncset.done $0x0  }
0x72: {  	[sflag:s29] =	ssyncadd.s32 $0xFFFFEC00  }
0x73: {  	_ =	swait.ge [sflag:s29], $0x1400  }
0x74: {  	[sflag:s29] =	ssyncset.done $0x0  }
0x75: {  	[sflag:s29] =	ssyncadd.s32 $0xFFFFEC00  }
0x76: {  	_ =	swait.ge [sflag:s29], $0x1400  }
0x77: {  	[sflag:s29] =	ssyncset.done $0x0  }
0x78: {  	[sflag:s29] =	ssyncadd.s32 $0xFFFFEC00  }
0x79: {  	_ =	swait.ge [sflag:s29], $0x1400  }
0x7a: {  	[sflag:s29] =	ssyncset.done $0x0  }
0x7b: {  	[sflag:s29] =	ssyncadd.s32 $0xFFFFEC00  }
0x7c: {  	_ =	swait.ge [sflag:s29], $0x1400  }
0x7d: {  	[sflag:s29] =	ssyncset.done $0x0  }
0x7e: {  	[sflag:s29] =	ssyncadd.s32 $0xFFFFEC00  }
0x7f: {  	_ =	swait.ge [sflag:s29], $0x1400  }
0x80: {  	[sflag:s29] =	ssyncset.done $0x0  }
0x81: {  	[sflag:s29] =	ssyncadd.s32 $0xFFFFEC00  }
0x82: {  	_ =	swait.ge [sflag:s29], $0x1400  }
.Ltmp2:
0x83: {  	[sflag:s29] =	ssyncset.done $0x0;
	(pc) =	sbr.rel @p0 .LBB2_4-.Ltmp2, $4  }
0x84: {  	[sflag:s29] =	ssyncadd.s32 $0xFFFFEC00  }
0x85: {  	[hbm4b:s31+s1] =	stream.linear.scatter [tilespmem:s14], [sflag:$0x2], $0xA000, $0x38;
	[tilespmem:$0xA480] =	vst v63  }
0x86: {  	_ =	swait.ge [sflag:s12], $0xA000  }
0x87: {  	s2 =	smov.u32 s6;
	s31 =	sadd.s32 $0x1400, s31;
	[sflag:s12] =	ssyncset.done $0x0  }
0x88: {  	s0 =	sadd.s32 s0, s10;
	[sflag:s12] =	ssyncadd.s32 $0xFFFF6000  }
0x89: {  	[tilespmem:s1], [sflag:$0x2] =	stream.linear.gather [hbm4b:s0+s1], $0x400, $0x38;
	[tilespmem:$0xA480] =	vst v63  }
0x8a: {  	_ =	swait.ge [sflag:s12], $0x400  }
0x8b: {  	[sflag:s12] =	ssyncset.done $0x0  }
0x8c: {  	[sflag:s12] =	ssyncadd.s32 $0xFFFFFC00  }
0x8d: {  	[tilespmem:s14], [sflag:$0x1] =	stream.indirect.gather [hbm4b:s3+s13], $0x28, s1, s13, $0xb8;
	[tilespmem:$0xA480] =	vst v63  }
0x8e: {  	_ = 	snop  }
0x8f: {  	[tilespmem:s15], [sflag:$0x1] =	stream.indirect.gather [hbm4b:s3+s13], $0x28, s13, s13, $0xb8;
	[tilespmem:$0xA480] =	vst v63  }
0x90: {  	_ = 	snop  }
0x91: {  	[tilespmem:s17], [sflag:$0x1] =	stream.indirect.gather [hbm4b:s3+s13], $0x28, s16, s13, $0xb8;
	[tilespmem:$0xA480] =	vst v63  }
0x92: {  	_ = 	snop  }
0x93: {  	[tilespmem:s19], [sflag:$0x1] =	stream.indirect.gather [hbm4b:s3+s13], $0x28, s18, s13, $0xb8;
	[tilespmem:$0xA480] =	vst v63  }
0x94: {  	_ = 	snop  }
0x95: {  	[tilespmem:s21], [sflag:$0x1] =	stream.indirect.gather [hbm4b:s3+s13], $0x28, s20, s13, $0xb8;
	[tilespmem:$0xA480] =	vst v63  }
0x96: {  	_ = 	snop  }
0x97: {  	[tilespmem:s23], [sflag:$0x1] =	stream.indirect.gather [hbm4b:s3+s13], $0x28, s22, s13, $0xb8;
	[tilespmem:$0xA480] =	vst v63  }
0x98: {  	_ = 	snop  }
0x99: {  	[tilespmem:s25], [sflag:$0x1] =	stream.indirect.gather [hbm4b:s3+s13], $0x28, s24, s13, $0xb8;
	[tilespmem:$0xA480] =	vst v63  }
0x9a: {  	_ = 	snop  }
0x9b: {  	[tilespmem:s28], [sflag:$0x1] =	stream.indirect.gather [hbm4b:s3+s13], $0x28, s26, s13, $0xb8;
	[tilespmem:$0xA480] =	vst v63  }
0x9c: {  	_ =	swait.ge [sflag:s29], $0x1400  }
0x9d: {  	[sflag:s29] =	ssyncset.done $0x0  }
0x9e: {  	[sflag:s29] =	ssyncadd.s32 $0xFFFFEC00  }
0x9f: {  	_ =	swait.ge [sflag:s29], $0x1400  }
0xa0: {  	[sflag:s29] =	ssyncset.done $0x0  }
0xa1: {  	[sflag:s29] =	ssyncadd.s32 $0xFFFFEC00  }
0xa2: {  	_ =	swait.ge [sflag:s29], $0x1400  }
0xa3: {  	[sflag:s29] =	ssyncset.done $0x0  }
0xa4: {  	[sflag:s29] =	ssyncadd.s32 $0xFFFFEC00  }
0xa5: {  	_ =	swait.ge [sflag:s29], $0x1400  }
0xa6: {  	[sflag:s29] =	ssyncset.done $0x0  }
0xa7: {  	[sflag:s29] =	ssyncadd.s32 $0xFFFFEC00  }
0xa8: {  	_ =	swait.ge [sflag:s29], $0x1400  }
0xa9: {  	[sflag:s29] =	ssyncset.done $0x0  }
0xaa: {  	[sflag:s29] =	ssyncadd.s32 $0xFFFFEC00  }
0xab: {  	_ =	swait.ge [sflag:s29], $0x1400  }
0xac: {  	[sflag:s29] =	ssyncset.done $0x0  }
0xad: {  	[sflag:s29] =	ssyncadd.s32 $0xFFFFEC00  }
0xae: {  	_ =	swait.ge [sflag:s29], $0x1400  }
0xaf: {  	[sflag:s29] =	ssyncset.done $0x0  }
0xb0: {  	[sflag:s29] =	ssyncadd.s32 $0xFFFFEC00  }
0xb1: {  	_ =	swait.ge [sflag:s29], $0x1400  }
0xb2: {  	[sflag:s29] =	ssyncset.done $0x0  }
0xb3: {  	[sflag:s29] =	ssyncadd.s32 $0xFFFFEC00  }
0xb4: {  	[hbm4b:s31+s1] =	stream.linear.scatter [tilespmem:s14], [sflag:$0x2], $0xA000, $0x38;
	[tilespmem:$0xA480] =	vst v63  }
0xb5: {  	_ =	swait.ge [sflag:s12], $0xA000  }
0xb6: {  	s30 =	sadd.s32 $0x1, s30;
	s31 =	rddreg [dreg:$0x5]  }
0xb7: {  	p0 =	sne.s32 s30, s31  }
.Ltmp3:
0xb8: {  	_ = 	snop;
	(pc) =	sbr.rel @p0 .LBB2_1-.Ltmp3, $3  }
0xb9: {  	_ =	sdelay $0x1  }
0xba: {  	[sflag:s12] =	ssyncset.done $0x0  }
0xbb: {  	[sflag:s12] =	ssyncadd.s32 $0xFFFF6000  }
0xbc: {  	_ =	sfence.sel $0x180000  }
0xbd: {  	[bflag:$0x0] =	sbarrier.arrive $0xFFFF  }
0xbe: {  	_ =	strace $0x90000047  }
0xbf: {  	s0 =	stileid.u32;
	[bflag:$0x2] =	sbarrier.arrive $0xFFFF  }
0xc0: {  	p0 =	sne.s32 s0, $0x0;
	s0 =	rddreg [dreg:$0x3]  }
0xc1: {  	s0 =	sadd.s32 @!p0 $0x100000, s0  }
0xc2: {  	[sflag:s0] =	ssyncadd.tile.s32 @!p0 $0x1;
	_ =	shalt  }
.Lfunc_end2:
_tile_overlayer_lowered:
.L_overlay_start_2:
0xc3: {  	(tag) =	ssettag $0x2  }
0xc4: {  	s0 =	rddreg [dreg:$0x0];
	s2 =	stileid.u32  }
0xc5: {  	s1 =	rddreg [dreg:$0x1];
	p0 =	sne.s32 s2, $0x0  }
0xc6: {  	s3 =	rddreg [dreg:$0x2];
	[bflag:$0x3] =	sbarrier.arrive $0xFFFF;
	s2 =	simm.s32 @!p0 $0x1C02  }
0xc7: {  	[timem:s3], [sflag:s2] =	dma.local @!p0 [hbm:s0], s1  }
0xc8: {  	s0 =	simm.s32 @!p0 $0x2  }
0xc9: {  	_ =	swait.ge @!p0 [sflag:s0], s1  }
0xca: {  	s1 =	ssub.s32 @!p0 $0x0, s1;
	[sflag:s0] =	ssyncset.done @!p0 $0x0  }
0xcb: {  	[sflag:s0] =	ssyncadd.s32 @!p0 s1  }
0xcc: {  	[bflag:$0x3] =	sbarrier.arrive $0xFFFF  }
0xcd: {  	_ =	shalt  }

// kernel: sparse-core-data-format-call.cloned.1.call-start
scs
called_computation_lowered:
.L_overlay_start_0:
0x0: {  	s2 =	sld [smem:$0x3FD9]  }
0x1: {  	s3 =	sld [smem:$0x3FFE];
	_ =	sdelay $0x1  }
0x2: {  	s1 =	srdreg.scid  }
0x3: {  	s0 =	sand.u32 $0x1, s1  }
0x4: {  	s18 =	sshll.u32 s0, $0xA;
	s2 =	sadd.s32 s3, s2  }
0x5: {  	s2 =	sadd.s32 s2, s18  }
0x6: {  	[smem:$0x3FC6] =	sst s2  }
0x7: {  	_ = 	snop  }
0x8: {  	s2 =	sld [smem:$0x3FD0];
	(tm) =	ssettm $0x1  }
0x9: {  	s19 =	sld [smem:$0x3FFB];
	_ =	sdelay $0x3  }
0xa: {  	_ =	strace s19  }
0xb: {  	s3 =	sld [smem:$0x3FFC];
	_ =	sdelay $0x3  }
0xc: {  	_ =	strace s3  }
0xd: {  	s3 =	sld [smem:$0x3FFD];
	_ =	sdelay $0x3  }
0xe: {  	_ =	strace s3  }
0xf: {  	_ =	strace $0x8FFFFFFF  }
0x10: {  	s20 =	sld [smem:$0x3FDB];
	_ =	sdelay $0x1  }
0x11: {  	s4 =	simm.s32 $_scs_section_size  }
0x12: {  	s5 =	simm.s32 $_size__tile_overlayer_lowered;
	s6 =	simm.s32 $_tile_overlayer_lowered  }
0x13: {  	s23 =	simm.s32 $0x1BFF;
	s22 =	sshll.u32 s6, $0x1;
	s3 =	sadd.s32 s4, s20  }
0x14: {  	s7 =	simm.s32 $0x0;
	s21 =	sshll.u32 s5, $0x1;
	s5 =	sadd.s32 s22, s3  }
0x15: {  	[timem:s7], [sflag:s23] =	dma.local [hbm:s5], s21  }
0x16: {  	_ =	swait.ge [sflag:s23], s21  }
0x17: {  	s4 =	ssub.s32 $0x0, s21;
	[sflag:s23] =	ssyncset.done $0x0  }
0x18: {  	[sflag:s23] =	ssyncadd.s32 s4;
	_ =	sdelay $0x1  }
0x19: {  	s24 =	simm.s32 $0x1B8B  }
0x1a: {  	_ =	swait.ge [sflag:s24], $0x1  }
0x1b: {  	[sflag:s24] =	ssyncset.done $0x0  }
0x1c: {  	s26 =	simm.s32 $0x1B8E;
	s25 =	sld [smem:$0x3FFE];
	[sflag:s24] =	ssyncadd.s32 $0xFFFFFFFF  }
0x1d: {  	s27 =	simm.s32 $execute0_lowered;
	[smem:$0x3FD2] =	sst s26  }
0x1e: {  	s5 =	sshll.u32 s27, $0x1;
	_ =	strace $0x80000049;
	[dreg:$0x1] =	wrdreg $0xFFFFFFFF  }
0x1f: {  	s28 =	simm.s32 $_size_execute0_lowered;
	s3 =	sadd.s32 s3, s5;
	[dreg:$0x0] =	wrdreg $0x0  }
0x20: {  	s5 =	sshll.u32 s28, $0x1;
	[dreg:$0x2] =	wrdreg s3  }
0x21: {  	[dreg:$0x3] =	wrdreg s5  }
0x22: {  	[dreg:$0x4] =	wrdreg $0xC0  }
0x23: {  	_ =	task [dreg:s7], $0x5FFFF  }
0x24: {  	[dreg:$0x1] =	wrdreg $0xFFFFFFFF  }
0x25: {  	[dreg:$0x0] =	wrdreg $0x60  }
0x26: {  	[dreg:$0x2] =	wrdreg s25  }
0x27: {  	[dreg:$0x3] =	wrdreg s2  }
0x28: {  	[dreg:$0x4] =	wrdreg $0x9  }
0x29: {  	_ =	task.clear_ibuf [dreg:s7], $0x5FFFF;
	_ =	strace $0x90000049  }
0x2a: {  	s29 =	simm.s32 $0x9;
	_ =	strace $0x8000004B  }
0x2b: {  	_ =	swait.ge [sflag:s29], $0x1  }
0x2c: {  	[sflag:s29] =	ssyncadd.s32 $0xFFFFFFFF  }
0x2d: {  	_ =	strace $0x9000004B  }
0x2e: {  	_ =	sfence  }
0x2f: {  	s30 =	sld [smem:$0x0];
	_ =	sdelay $0x2  }
0x30: {  	s31 =	sshll.u32 s1, $0xD;
	s1 =	sshrl.u32 s1, $0x2  }
0x31: {  	s3 =	sand.u32 $0x4000, s31;
	s1 =	sadd.s32 s1, s30  }
0x32: {  	s0 =	sor.u32 s3, s0;
	s1 =	sshll.u32 s1, $0x11  }
0x33: {  	s0 =	sor.u32 s1, s0  }
0x34: {  	s0 =	sadd.s32 $0x8F2B, s0  }
0x35: {  	[sflag:s0] =	ssyncadd.remote.s32 $0x1  }
0x36: {  	_ =	sfence.sel $0xFFFF  }
0x37: {  	[dreg:$0x0] =	wrdreg $0xFFFFFFFF;
	(pc) =	sbr.abs _section_cstart, $3  }
0x38: {  	[dreg:$0x1] =	wrdreg $0xFFFFFFFF  }
0x39: {  	_ =	task.clear_ibuf [dreg:s7], $0x2FFFF;
	_ =	strace $0x9FFFFFFF  }
0x3a: {  	(tm) =	ssettm $0x7FFFFFFF  }
0x3b: {  	_ =	shalt  }
tec
execute0_lowered:
.L_overlay_start_1:
0x0: {  	(tag) =	ssettag $0x1  }
0x1: {  	s0 =	srdreg.scid  }
0x2: {  	s5 =	rddreg [dreg:$0x0];
	s1 =	sshll.u32 s0, $0x4  }
0x3: {  	s2 =	rddreg [dreg:$0x1];
	s0 =	stileid.u32;
	s1 =	sand.u32 $0x10, s1  }
0x4: {  	s4 =	simm.s32 $0x1;
	s8 =	simm.s32 $0x2;
	s1 =	sor.u32 s0, s1  }
0x5: {  	s12 =	simm.s32 $0x0;
	s9 =	simm.s32 $0x0;
	s3 =	sshll.u32 s1, $0x7  }
0x6: {  	s11 =	simm.s32 $0x0;
	s5 =	sadd.s32 $0x1000, s5;
	s6 =	ssub.s32 $0x78000, s3  }
.Ltmp0:
0x7: {  	s1 =	rddreg [dreg:$0x2];
	s7 =	sand.u32 $0xF80, s6;
	(pc) =	sbr.rel .LBB1_1-.Ltmp0, $4  }
0x8: {  	_ =	strace $0x8000004A;
	p0 =	sne.s32 s7, $0x0;
	s7 =	simm.s32 $0x1  }
0x9: {  	[sflag:s4] =	ssyncpa.u1 $0x0;
	s6 =	sshrl.u32 s6, $0xC;
	s7 =	simm.s32 @!p0 $0x0  }
0xa: {  	s10 =	smov.u32 s3;
	[sflag:s8] =	ssyncpa.u1 $0x0;
	s6 =	sadd.s32 s7, s6  }
0xb: {  	s8 =	simm.s32 $0x3C0000;
	p0 =	por $0x0, $0x0;
	s7 =	sadd.s32 $0x1, s6  }
.LBB1_4:
0xc: {  	s15 =	sshll.u32 s9, $0x3  }
0xd: {  	s16 =	sand.u32 $0x7F, s9;
	s17 =	sand.u32 $0xFFFFFC00, s15;
	s15 =	smulhi.u32 $0x88888889, s15  }
0xe: {  	s16 =	sor.u32 s16, s17  }
0xf: {  	s17 =	smulhi.u32 $0x88888889, s16;
	s15 =	sshrl.u32 s15, $0x12  }
0x10: {  	p1 =	sgt.s32 s9, $0x77F80;
	s19 =	smov.u32 s9;
	s18 =	smul.u32 $0xCCD, s15  }
0x11: {  	s20 =	sshra.s32 s9, $0x1F;
	s19 =	simm.s32 @!p1 $0x77F80;
	s17 =	sshrl.u32 s17, $0x12  }
0x12: {  	s20 =	sand.u32 s20, s9;
	s17 =	smul.u32 $0x78000, s17;
	s18 =	sshrl.u32 s18, $0x11  }
0x13: {  	s27 =	ssub.s32 s19, s20;
	s18 =	smul.u32 $0x28, s18  }
0x14: {  	s28 =	sadd.s32 $0xFFF88080, s27  }
0x15: {  	s16 =	ssub.s32 s16, s17;
	s17 =	ssub.s32 $0x78000, s27;
	s15 =	ssub.s32 s15, s18  }
0x16: {  	p1 =	sgt.s32 s28, $0x7F;
	s17 =	smul.u32 $0xA0, s17;
	s15 =	sand.u32 $0xFFFF, s15  }
0x17: {  	[tilespmem:s14+$0x810 ss:$0x81] =	vst.msk $0xffff, v2;
	s29 =	sshrl.u32 s16, $0x3;
	s16 =	sand.u32 $0x7, s16;
	s15 =	smul.u32 $0xF000, s15  }
0x18: {  	[tilespmem:s14+$0x1020 ss:$0x81] =	vst.msk $0xffff, v0;
	s18 =	sadd.s32 s2, s29;
	s16 =	sshll.u32 s16, $0x12;
	s17 =	sshrl.u32 s17, $0x2  }
0x19: {  	[tilespmem:s14+$0x0 ss:$0x81] =	vst.msk $0xffff, v1;
	s31 =	sor.u32 $0x400, s16;
	s17 =	simm.s32 @p1 $0x0;
	s30 =	sadd.s32 s15, s18  }
0x1a: {  	[hbm4b:s30+s31] =	stream.strided.scatter [tilespmem:s13], [sflag:$0x2], s17, s8, s31, $0x20;
	[tilespmem:$0x8080] =	vst v63  }
.LBB1_5:
0x1b: {  	p1 =	slt.u32 s11, $0x2  }
0x1c: {  	p2 =	sgt.s32 @!p1 s12, $0x77F80  }
0x1d: {  	s13 =	smov.u32 s12;
	s14 =	sshra.s32 @!p1 s12, $0x1F;
	p2 =	por !p2, p1  }
0x1e: {  	s12 =	sand.u32 @!p1 s14, s12;
	s13 =	simm.s32 @p2 $0x77F80  }
0x1f: {  	s12 =	ssub.s32 @!p1 s13, s12  }
0x20: {  	s13 =	ssub.s32 @!p1 $0x78000, s12  }
0x21: {  	s12 =	sadd.s32 @!p1 $0xFFF88080, s12;
	s13 =	smul.u32 @!p1 $0xA0, s13  }
0x22: {  	p2 =	sgt.s32 @!p1 s12, $0x7F  }
0x23: {  	s14 =	sadd.s32 $0x1000, s10;
	p2 =	por !p2, p1;
	s12 =	sshrl.u32 @!p1 s13, $0x2  }
0x24: {  	s12 =	simm.s32 @!p2 $0x0;
	p2 =	sgt.s32 s14, $0x77FFF  }
0x25: {  	s14 =	smov.u32 @p2 s3;
	p2 =	sne.s32 s11, s7  }
.Ltmp1:
0x26: {  	_ = 	snop;
	(pc) =	sbr.rel @!p2 .LBB1_6-.Ltmp1, $4  }
0x27: {  	s13 =	simm.s32 @!p1 $0x2  }
0x28: {  	p0 =	por !p0, !p0;
	_ =	swait.ge @!p1 [sflag:s13], s12;
	s15 =	ssub.s32 @!p1 $0x0, s12  }
0x29: {  	s12 =	smov.u32 s9;
	s11 =	sadd.s32 $0x1, s11;
	[sflag:s13] =	ssyncset.done @!p1 $0x0  }
0x2a: {  	s9 =	smov.u32 s10;
	s10 =	smov.u32 s14;
	[sflag:s13] =	ssyncadd.s32 @!p1 s15  }
.LBB1_1:
0x2b: {  	p1 =	sge.u32 s11, s6  }
0x2c: {  	s13 =	sand.u32 @!p1 $0x1FFFFFF, s10  }
0x2d: {  	s14 =	smulhi.u32 @!p1 $0x2222223, s13;
	_ =	sdelay $0x1  }
0x2e: {  	s14 =	sshrl.u32 @!p1 s14, $0xC  }
0x2f: {  	s14 =	smul.u32 @!p1 $0x78000, s14;
	_ =	sdelay $0x1  }
0x30: {  	s31 =	sadd.s32 $0xFFFFFFFF, s11;
	s15 =	sxor.u32 @!p1 $0xFFFFFFFF, s11;
	s13 =	ssub.s32 @!p1 s13, s14  }
0x31: {  	s16 =	simm.s32 @!p1 $0x80;
	s15 =	sshll.u32 @!p1 s15, $0xD;
	s13 =	sshll.u32 @!p1 s13, $0x4  }
0x32: {  	s14 =	sand.u32 @!p1 $0x2000, s15;
	s15 =	simm.s32 @!p1 $0x40;
	s13 =	sadd.s32 @!p1 s5, s13  }
0x33: {  	[tilespmem:s14], [sflag:$0x1] =	stream.strided.gather @!p1 [hbm4b:s13+s15], $0x2000, s16, s15, $0x38;
	[tilespmem:$0x8080] =	vst v63  }
0x34: {  	p1 =	sge.u32 s31, s6  }
.Ltmp2:
0x35: {  	_ = 	snop;
	(pc) =	sbr.rel @p1 .LBB1_5-.Ltmp2, $1  }
0x36: {  	_ =	sdelay $0x3  }
0x37: {  	s13 =	simm.s32 $0x1  }
0x38: {  	_ =	swait.ge [sflag:s4], $0x2000;
	s13 =	simm.s32 @!p0 $0x0  }
0x39: {  	[sflag:s4] =	ssyncset.done $0x0;
	s14 =	sshll.u32 s13, $0xD  }
0x3a: {  	[sflag:s4] =	ssyncadd.s32 $0xFFFFE000;
	s17 =	sor.u32 $0x20, s14  }
0x3b: {  	s13 =	smul.u32 $0x8100, s13;
	v3 =	vld [tilespmem:s17+$0x10]  }
0x3c: {  	s30 =	sand.u32 $0x1, s11;
	v2 =	vld [tilespmem:s17+$0xFFFFFFF0]  }
0x3d: {  	s14 =	smul.u32 $0x8100, s30;
	s13 =	sshrl.u32 s13, $0x2;
	v0 =	vld [tilespmem:s17+$0x0]  }
0x3e: {  	v1 =	vld [tilespmem:s17+$0xFFFFFFE0];
	s15 =	sor.u32 $0x4000, s13  }
0x3f: {  	s31 =	sshrl.u32 s14, $0x2;
	s14 =	sadd.s32 $0x0, s15  }
0x40: {  	s16 =	simm.s32 $0x4;
	s17 =	sadd.s32 $0x40, s17;
	s13 =	sor.u32 $0x4000, s31;
	[tilespmem:s14+$0x1830 ss:$0x81] =	vst.msk $0xffff, v3  }
.LBB1_3:
0x41: {  	v3 =	vld [tilespmem:s17+$0x10];
	p1 =	sne.s32 s16, $0x1FC;
	[tilespmem:s14+$0x810 ss:$0x81] =	vst.msk $0xffff, v2;
	s18 =	smov.u32 s16;
	s16 =	sadd.s32 $0x4, s16  }
.Ltmp3:
0x42: {  	v2 =	vld [tilespmem:s17+$0xFFFFFFF0];
	[tilespmem:s14+$0x1020 ss:$0x81] =	vst.msk $0xffff, v0;
	(pc) =	sbr.rel @p1 .LBB1_3-.Ltmp3, $4  }
0x43: {  	v0 =	vld [tilespmem:s17+$0x0];
	[tilespmem:s14+$0x0 ss:$0x81] =	vst.msk $0xffff, v1  }
0x44: {  	s14 =	sshra.s32 s18, $0x2;
	v1 =	vld [tilespmem:s17+$0xFFFFFFE0]  }
0x45: {  	s14 =	sadd.s32 s14, s15  }
0x46: {  	s17 =	sadd.s32 $0x40, s17;
	[tilespmem:s14+$0x1830 ss:$0x81] =	vst.msk $0xffff, v3  }
.Ltmp4:
0x47: {  	_ = 	snop;
	(pc) =	sbr.rel .LBB1_4-.Ltmp4, $1  }
0x48: {  	_ =	sdelay $0x3  }
.LBB1_6:
0x49: {  	_ =	sfence.sel $0x180000  }
0x4a: {  	s2 =	simm.s32 $0x1;
	[bflag:$0x0] =	sbarrier.arrive $0xFFFF  }
0x4b: {  	s31 =	simm.s32 $0x2;
	[sflag:s2] =	ssyncpa.u1 $0x1  }
0x4c: {  	[sflag:s31] =	ssyncpa.u1 $0x1  }
0x4d: {  	p0 =	sne.s32 s0, $0x0;
	_ =	strace $0x9000004A  }
0x4e: {  	s0 =	sadd.s32 @!p0 $0x100000, s1;
	[bflag:$0x2] =	sbarrier.arrive $0xFFFF  }
0x4f: {  	[sflag:s0] =	ssyncadd.tile.s32 @!p0 $0x1;
	_ =	shalt  }
.Lfunc_end1:
_tile_overlayer_lowered:
.L_overlay_start_2:
0x50: {  	(tag) =	ssettag $0x2  }
0x51: {  	s0 =	rddreg [dreg:$0x0];
	s2 =	stileid.u32  }
0x52: {  	s1 =	rddreg [dreg:$0x1];
	p0 =	sne.s32 s2, $0x0  }
0x53: {  	s3 =	rddreg [dreg:$0x2];
	[bflag:$0x3] =	sbarrier.arrive $0xFFFF;
	s2 =	simm.s32 @!p0 $0x1C01  }
0x54: {  	[timem:s3], [sflag:s2] =	dma.local @!p0 [hbm:s0], s1  }
0x55: {  	s0 =	simm.s32 @!p0 $0x1  }
0x56: {  	_ =	swait.ge @!p0 [sflag:s0], s1  }
0x57: {  	s1 =	ssub.s32 @!p0 $0x0, s1;
	[sflag:s0] =	ssyncset.done @!p0 $0x0  }
0x58: {  	[sflag:s0] =	ssyncadd.s32 @!p0 s1  }
0x59: {  	[bflag:$0x3] =	sbarrier.arrive $0xFFFF  }
0x5a: {  	_ =	shalt  }

</sc_bundles>
